<compile_context>
chip_gen: v7x
topology: tpu7x:2x2x1
jax: 0.10.2.dev20260603
libtpu: 0.0.44.dev20260713+nightly
codegen_flags: <defaults>
</compile_context>

<pallas_src>
import functools
import jax
import jax.numpy as jnp
from jax import lax
from jax.experimental import pallas as pl
from jax.experimental.pallas import tpu as pltpu
from jax.experimental.pallas import tpu_sc as plsc

D = 1024
SEQ = 2048
NC, NS = 2, 16
NW = NC * NS
SEQ_PER_W = SEQ // NW
R = 16
SLICES = D // 16
NBLK = SEQ_PER_W // R

_mesh = plsc.VectorSubcoreMesh(core_axis_name="c", subcore_axis_name="s")


@functools.partial(
    pl.kernel,
    mesh=_mesh,
    out_type=jax.ShapeDtypeStruct((SEQ, D), jnp.float32),
    scratch_types=[
        pltpu.VMEM((R, D), jnp.float32),
        pltpu.VMEM((R, D), jnp.float32),
        pltpu.VMEM((R, D), jnp.float32),
        pltpu.SemaphoreType.DMA,
        pltpu.SemaphoreType.DMA,
        pltpu.SemaphoreType.DMA,
        pltpu.SemaphoreType.DMA,
    ],
)
def _sc_add1(x_hbm, emb_hbm, out_hbm, xb0, xb1, ebuf, si0, si1, so0, so1):
    wid = lax.axis_index("s") * NC + lax.axis_index("c")
    s0 = wid * SEQ_PER_W
    xbufs = (xb0, xb1)
    sin = (si0, si1)
    sout = (so0, so1)

    def row_slice(k):
        return pl.ds(s0 + k * R, R)

    def add_block(xbuf):
        def body(i, _):
            sl = pl.ds(i * 16, 16)
            for r in range(R):
                xbuf[r, sl] = xbuf[r, sl] + ebuf[r, sl]
            return 0

        lax.fori_loop(0, SLICES, body, 0)

    pltpu.async_copy(x_hbm.at[row_slice(0), :], xbufs[0], sin[0])
    out_handles = [None, None]
    for k in range(NBLK):
        cur = k % 2
        pltpu.sync_copy(emb_hbm.at[row_slice(k), :], ebuf)
        nxt = k + 1
        if nxt < NBLK:
            nbuf = nxt % 2
            if out_handles[nbuf] is not None:
                out_handles[nbuf].wait()
            pltpu.async_copy(x_hbm.at[row_slice(nxt), :], xbufs[nbuf], sin[nbuf])
        pltpu.make_async_copy(x_hbm.at[row_slice(k), :], xbufs[cur], sin[cur]).wait()
        add_block(xbufs[cur])
        out_handles[cur] = pltpu.make_async_copy(
            xbufs[cur], out_hbm.at[row_slice(k), :], sout[cur]
        )
        out_handles[cur].start()
    for h in out_handles:
        if h is not None:
            h.wait()


def _tc_kernel(x_ref, emb_ref, o_ref):
    o_ref[...] = x_ref[...] + emb_ref[...]


def _tc_add(x, emb):
    batch, seq, d = x.shape
    return pl.pallas_call(
        _tc_kernel,
        grid=(seq // SEQ, batch),
        in_specs=[
            pl.BlockSpec((1, SEQ, d), lambda s, b: (b, s, 0)),
            pl.BlockSpec((SEQ, d), lambda s, b: (s, 0)),
        ],
        out_specs=pl.BlockSpec((1, SEQ, d), lambda s, b: (b, s, 0)),
        out_shape=jax.ShapeDtypeStruct((batch, seq, d), x.dtype),
        compiler_params=pltpu.CompilerParams(
            dimension_semantics=("parallel", "parallel"),
        ),
    )(x, emb)


def kernel(x, emb):
    out_sc = _sc_add1(x[3], emb)
    out_tc = _tc_add(x[:3], emb)
    return jnp.concatenate([out_tc, out_sc[None]], axis=0)

# --- scband reference (transcript-rebuilt; emitter-appended) ---
"""Pipeline reference for scband-positional-encoding-10299331576606 (READ-ONLY COPY).

The authoritative reference and input builder live on the scoring server;
editing this copy changes nothing except your own understanding.
"""

import jax, jax.numpy as jnp
import numpy as np

D_MODEL = 1024
NUM_POSITIONS = 2048
BATCH = 4
SEQ_LEN = 2048


def setup_inputs(seed: int = 0) -> dict:
    key = jax.random.key(seed)
    k1, k2 = jax.random.split(key)
    x = jax.random.normal(k1, (BATCH, SEQ_LEN, D_MODEL), dtype=jnp.float32)
    emb = jax.random.normal(k2, (NUM_POSITIONS, D_MODEL), dtype=jnp.float32) * 0.02
    return {"x": x, "emb": emb}


def reference(x, emb):
    # PositionalEncoding.forward with batched=True
    input_size = x.shape[-2]
    indices_to_embed = jnp.arange(input_size, dtype=jnp.int32)
    pos = jnp.take(emb, indices_to_embed, axis=0)  # [seq_len, d_model]
    emb_unsq = pos[None, :, :]  # unsqueeze(0)
    return x + emb_unsq

if __name__ == "__main__":
    import jax
    _d = setup_inputs()
    print(jax.jit(kernel)(*tuple(_d.values())))

</pallas_src>

<mosaic_0001>
#map = affine_map<(d0, d1) -> (0, 0)>
module attributes {stable_mosaic.version = 14 : i64} {
  func.func @_sc_add1(%arg0: i32, %arg1: i32, %arg2: memref<2048x1024xf32, #tpu.memory_space<hbm>>, %arg3: memref<2048x1024xf32, #tpu.memory_space<hbm>>, %arg4: memref<2048x1024xf32, #tpu.memory_space<hbm>>, %arg5: memref<16x1024xf32, #tpu.memory_space<vmem>>, %arg6: memref<16x1024xf32, #tpu.memory_space<vmem>>, %arg7: memref<16x1024xf32, #tpu.memory_space<vmem>>, %arg8: memref<!tpu.dma_semaphore, #tpu.memory_space<semaphore_mem>>, %arg9: memref<!tpu.dma_semaphore, #tpu.memory_space<semaphore_mem>>, %arg10: memref<!tpu.dma_semaphore, #tpu.memory_space<semaphore_mem>>, %arg11: memref<!tpu.dma_semaphore, #tpu.memory_space<semaphore_mem>>) attributes {dimension_semantics = [#tpu.dimension_semantics<core_parallel>, #tpu.dimension_semantics<subcore_parallel>], iteration_bounds = array<i64: 2, 16>, scalar_prefetch = 0 : i64, scratch_operands = 7 : i64, tpu.core_type = #tpu.core_type<sc_vector_subcore>, window_params = [{transform_indices = #map}, {transform_indices = #map}, {transform_indices = #map}]} {
    %mul3A = arith.constant 2 : i32
    %mul3A_0 = arith.muli %arg1, %mul3A : i32
    %add3A = arith.addi %mul3A_0, %arg0 : i32
    %mul3A_1 = arith.constant 64 : i32
    %mul3A_2 = arith.muli %add3A, %mul3A_1 : i32
    %add3A_3 = arith.constant 0 : i32
    %add3A_4 = arith.addi %mul3A_2, %add3A_3 : i32
    %dma_start3A = arith.constant 0 : i32
    %dma_start3A_5 = tpu.memref_slice %arg2[%add3A_4, %dma_start3A] : memref<2048x1024xf32, #tpu.memory_space<hbm>> -> memref<16x1024xf32, #tpu.memory_space<hbm>>
    %dma_start3A_6 = arith.constant 0 : i32
    %dma_start3A_7 = tpu.memref_slice %arg2[%add3A_4, %dma_start3A_6] : memref<2048x1024xf32, #tpu.memory_space<hbm>> -> memref<16x1024xf32, #tpu.memory_space<hbm>>
    tpu.enqueue_dma source(%dma_start3A_7 : memref<16x1024xf32, #tpu.memory_space<hbm>>) target(%arg5 : memref<16x1024xf32, #tpu.memory_space<vmem>>) target_semaphore(%arg8 : memref<!tpu.dma_semaphore, #tpu.memory_space<semaphore_mem>>)
    %add3A_8 = arith.constant 0 : i32
    %add3A_9 = arith.addi %mul3A_2, %add3A_8 : i32
    "tpu.region"() ({
      %run_scoped3A = tpu.sem_alloc : memref<!tpu.dma_semaphore, #tpu.memory_space<semaphore_mem>>
      %dma_start3A_124 = arith.constant 0 : i32
      %dma_start3A_125 = tpu.memref_slice %arg3[%add3A_9, %dma_start3A_124] : memref<2048x1024xf32, #tpu.memory_space<hbm>> -> memref<16x1024xf32, #tpu.memory_space<hbm>>
      %dma_start3A_126 = arith.constant 0 : i32
      %dma_start3A_127 = tpu.memref_slice %arg3[%add3A_9, %dma_start3A_126] : memref<2048x1024xf32, #tpu.memory_space<hbm>> -> memref<16x1024xf32, #tpu.memory_space<hbm>>
      tpu.enqueue_dma source(%dma_start3A_127 : memref<16x1024xf32, #tpu.memory_space<hbm>>) target(%arg7 : memref<16x1024xf32, #tpu.memory_space<vmem>>) target_semaphore(%run_scoped3A : memref<!tpu.dma_semaphore, #tpu.memory_space<semaphore_mem>>)
      %dma_wait3A_128 = arith.constant 0 : i32
      %dma_wait3A_129 = tpu.memref_slice %arg3[%add3A_9, %dma_wait3A_128] : memref<2048x1024xf32, #tpu.memory_space<hbm>> -> memref<16x1024xf32, #tpu.memory_space<hbm>>
      %dma_wait3A_130 = arith.constant 0 : i32
      %dma_wait3A_131 = tpu.memref_slice %arg3[%add3A_9, %dma_wait3A_130] : memref<2048x1024xf32, #tpu.memory_space<hbm>> -> memref<16x1024xf32, #tpu.memory_space<hbm>>
      tpu.wait_dma2 semaphore(%run_scoped3A : memref<!tpu.dma_semaphore, #tpu.memory_space<semaphore_mem>>) src(%dma_wait3A_131 : memref<16x1024xf32, #tpu.memory_space<hbm>>) dst(%arg7 : memref<16x1024xf32, #tpu.memory_space<vmem>>)
      tpu.yield
    }) : () -> ()
    %add3A_10 = arith.constant 16 : i32
    %add3A_11 = arith.addi %mul3A_2, %add3A_10 : i32
    %dma_start3A_12 = arith.constant 0 : i32
    %dma_start3A_13 = tpu.memref_slice %arg2[%add3A_11, %dma_start3A_12] : memref<2048x1024xf32, #tpu.memory_space<hbm>> -> memref<16x1024xf32, #tpu.memory_space<hbm>>
    %dma_start3A_14 = arith.constant 0 : i32
    %dma_start3A_15 = tpu.memref_slice %arg2[%add3A_11, %dma_start3A_14] : memref<2048x1024xf32, #tpu.memory_space<hbm>> -> memref<16x1024xf32, #tpu.memory_space<hbm>>
    tpu.enqueue_dma source(%dma_start3A_15 : memref<16x1024xf32, #tpu.memory_space<hbm>>) target(%arg6 : memref<16x1024xf32, #tpu.memory_space<vmem>>) target_semaphore(%arg9 : memref<!tpu.dma_semaphore, #tpu.memory_space<semaphore_mem>>)
    %add3A_16 = arith.constant 0 : i32
    %add3A_17 = arith.addi %mul3A_2, %add3A_16 : i32
    %dma_wait3A = arith.constant 0 : i32
    %dma_wait3A_18 = tpu.memref_slice %arg2[%add3A_17, %dma_wait3A] : memref<2048x1024xf32, #tpu.memory_space<hbm>> -> memref<16x1024xf32, #tpu.memory_space<hbm>>
    %dma_wait3A_19 = arith.constant 0 : i32
    %dma_wait3A_20 = tpu.memref_slice %arg2[%add3A_17, %dma_wait3A_19] : memref<2048x1024xf32, #tpu.memory_space<hbm>> -> memref<16x1024xf32, #tpu.memory_space<hbm>>
    tpu.wait_dma2 semaphore(%arg8 : memref<!tpu.dma_semaphore, #tpu.memory_space<semaphore_mem>>) src(%dma_wait3A_20 : memref<16x1024xf32, #tpu.memory_space<hbm>>) dst(%arg5 : memref<16x1024xf32, #tpu.memory_space<vmem>>)
    %scan3A = arith.constant 0 : i32
    %scan3A_21 = arith.constant 0 : i32
    %scan3A_22 = arith.constant 64 : i32
    %scan3A_23 = arith.addi %scan3A_21, %scan3A_22 : i32
    %scan3A_24 = arith.constant 1 : i32
    %scan3A_25 = scf.for %scan3A_124 = %scan3A_21 to %scan3A_23 step %scan3A_24 iter_args(%scan3A_125 = %scan3A) -> (i32)  : i32 {
      %mul3A_126 = arith.constant 16 : i32
      %mul3A_127 = arith.muli %scan3A_124, %mul3A_126 : i32
      %get3A = arith.constant 0 : i32
      %get3A_128 = arith.index_cast %get3A : i32 to index
      %get3A_129 = arith.index_cast %mul3A_127 : i32 to index
      %get3A_130 = tpu.vector_load %arg5[%get3A_128, %get3A_129] {strides = array<i32>} : memref<16x1024xf32, #tpu.memory_space<vmem>>, vector<1x16xf32>,
      %get3A_131 = vector.shape_cast %get3A_130 : vector<1x16xf32> to vector<16xf32>
      %get3A_132 = arith.constant 0 : i32
      %get3A_133 = arith.index_cast %get3A_132 : i32 to index
      %get3A_134 = arith.index_cast %mul3A_127 : i32 to index
      %get3A_135 = tpu.vector_load %arg7[%get3A_133, %get3A_134] {strides = array<i32>} : memref<16x1024xf32, #tpu.memory_space<vmem>>, vector<1x16xf32>,
      %get3A_136 = vector.shape_cast %get3A_135 : vector<1x16xf32> to vector<16xf32>
      %add3A_137 = arith.addf %get3A_131, %get3A_136 : vector<16xf32>
      %swap3A = arith.constant 0 : i32
      %swap3A_138 = arith.index_cast %swap3A : i32 to index
      %swap3A_139 = arith.index_cast %mul3A_127 : i32 to index
      %swap3A_140 = tpu.vector_load %arg5[%swap3A_138, %swap3A_139] {strides = array<i32>} : memref<16x1024xf32, #tpu.memory_space<vmem>>, vector<1x16xf32>,
      %swap3A_141 = vector.shape_cast %swap3A_140 : vector<1x16xf32> to vector<16xf32>
      %swap3A_142 = vector.shape_cast %add3A_137 : vector<16xf32> to vector<1x16xf32>
      tpu.vector_store %arg5[%swap3A_138, %swap3A_139], %swap3A_142 {strides = array<i32>} : memref<16x1024xf32, #tpu.memory_space<vmem>>, vector<1x16xf32>,
      %get3A_143 = arith.constant 1 : i32
      %get3A_144 = arith.index_cast %get3A_143 : i32 to index
      %get3A_145 = arith.index_cast %mul3A_127 : i32 to index
      %get3A_146 = tpu.vector_load %arg5[%get3A_144, %get3A_145] {strides = array<i32>} : memref<16x1024xf32, #tpu.memory_space<vmem>>, vector<1x16xf32>,
      %get3A_147 = vector.shape_cast %get3A_146 : vector<1x16xf32> to vector<16xf32>
      %get3A_148 = arith.constant 1 : i32
      %get3A_149 = arith.index_cast %get3A_148 : i32 to index
      %get3A_150 = arith.index_cast %mul3A_127 : i32 to index
      %get3A_151 = tpu.vector_load %arg7[%get3A_149, %get3A_150] {strides = array<i32>} : memref<16x1024xf32, #tpu.memory_space<vmem>>, vector<1x16xf32>,
      %get3A_152 = vector.shape_cast %get3A_151 : vector<1x16xf32> to vector<16xf32>
      %add3A_153 = arith.addf %get3A_147, %get3A_152 : vector<16xf32>
      %swap3A_154 = arith.constant 1 : i32
      %swap3A_155 = arith.index_cast %swap3A_154 : i32 to index
      %swap3A_156 = arith.index_cast %mul3A_127 : i32 to index
      %swap3A_157 = tpu.vector_load %arg5[%swap3A_155, %swap3A_156] {strides = array<i32>} : memref<16x1024xf32, #tpu.memory_space<vmem>>, vector<1x16xf32>,
      %swap3A_158 = vector.shape_cast %swap3A_157 : vector<1x16xf32> to vector<16xf32>
      %swap3A_159 = vector.shape_cast %add3A_153 : vector<16xf32> to vector<1x16xf32>
      tpu.vector_store %arg5[%swap3A_155, %swap3A_156], %swap3A_159 {strides = array<i32>} : memref<16x1024xf32, #tpu.memory_space<vmem>>, vector<1x16xf32>,
      %get3A_160 = arith.constant 2 : i32
      %get3A_161 = arith.index_cast %get3A_160 : i32 to index
      %get3A_162 = arith.index_cast %mul3A_127 : i32 to index
      %get3A_163 = tpu.vector_load %arg5[%get3A_161, %get3A_162] {strides = array<i32>} : memref<16x1024xf32, #tpu.memory_space<vmem>>, vector<1x16xf32>,
      %get3A_164 = vector.shape_cast %get3A_163 : vector<1x16xf32> to vector<16xf32>
      %get3A_165 = arith.constant 2 : i32
      %get3A_166 = arith.index_cast %get3A_165 : i32 to index
      %get3A_167 = arith.index_cast %mul3A_127 : i32 to index
      %get3A_168 = tpu.vector_load %arg7[%get3A_166, %get3A_167] {strides = array<i32>} : memref<16x1024xf32, #tpu.memory_space<vmem>>, vector<1x16xf32>,
      %get3A_169 = vector.shape_cast %get3A_168 : vector<1x16xf32> to vector<16xf32>
      %add3A_170 = arith.addf %get3A_164, %get3A_169 : vector<16xf32>
      %swap3A_171 = arith.constant 2 : i32
      %swap3A_172 = arith.index_cast %swap3A_171 : i32 to index
      %swap3A_173 = arith.index_cast %mul3A_127 : i32 to index
      %swap3A_174 = tpu.vector_load %arg5[%swap3A_172, %swap3A_173] {strides = array<i32>} : memref<16x1024xf32, #tpu.memory_space<vmem>>, vector<1x16xf32>,
      %swap3A_175 = vector.shape_cast %swap3A_174 : vector<1x16xf32> to vector<16xf32>
      %swap3A_176 = vector.shape_cast %add3A_170 : vector<16xf32> to vector<1x16xf32>
      tpu.vector_store %arg5[%swap3A_172, %swap3A_173], %swap3A_176 {strides = array<i32>} : memref<16x1024xf32, #tpu.memory_space<vmem>>, vector<1x16xf32>,
      %get3A_177 = arith.constant 3 : i32
      %get3A_178 = arith.index_cast %get3A_177 : i32 to index
      %get3A_179 = arith.index_cast %mul3A_127 : i32 to index
      %get3A_180 = tpu.vector_load %arg5[%get3A_178, %get3A_179] {strides = array<i32>} : memref<16x1024xf32, #tpu.memory_space<vmem>>, vector<1x16xf32>,
      %get3A_181 = vector.shape_cast %get3A_180 : vector<1x16xf32> to vector<16xf32>
      %get3A_182 = arith.constant 3 : i32
      %get3A_183 = arith.index_cast %get3A_182 : i32 to index
      %get3A_184 = arith.index_cast %mul3A_127 : i32 to index
      %get3A_185 = tpu.vector_load %arg7[%get3A_183, %get3A_184] {strides = array<i32>} : memref<16x1024xf32, #tpu.memory_space<vmem>>, vector<1x16xf32>,
      %get3A_186 = vector.shape_cast %get3A_185 : vector<1x16xf32> to vector<16xf32>
      %add3A_187 = arith.addf %get3A_181, %get3A_186 : vector<16xf32>
      %swap3A_188 = arith.constant 3 : i32
      %swap3A_189 = arith.index_cast %swap3A_188 : i32 to index
      %swap3A_190 = arith.index_cast %mul3A_127 : i32 to index
      %swap3A_191 = tpu.vector_load %arg5[%swap3A_189, %swap3A_190] {strides = array<i32>} : memref<16x1024xf32, #tpu.memory_space<vmem>>, vector<1x16xf32>,
      %swap3A_192 = vector.shape_cast %swap3A_191 : vector<1x16xf32> to vector<16xf32>
      %swap3A_193 = vector.shape_cast %add3A_187 : vector<16xf32> to vector<1x16xf32>
      tpu.vector_store %arg5[%swap3A_189, %swap3A_190], %swap3A_193 {strides = array<i32>} : memref<16x1024xf32, #tpu.memory_space<vmem>>, vector<1x16xf32>,
      %get3A_194 = arith.constant 4 : i32
      %get3A_195 = arith.index_cast %get3A_194 : i32 to index
      %get3A_196 = arith.index_cast %mul3A_127 : i32 to index
      %get3A_197 = tpu.vector_load %arg5[%get3A_195, %get3A_196] {strides = array<i32>} : memref<16x1024xf32, #tpu.memory_space<vmem>>, vector<1x16xf32>,
      %get3A_198 = vector.shape_cast %get3A_197 : vector<1x16xf32> to vector<16xf32>
      %get3A_199 = arith.constant 4 : i32
      %get3A_200 = arith.index_cast %get3A_199 : i32 to index
      %get3A_201 = arith.index_cast %mul3A_127 : i32 to index
      %get3A_202 = tpu.vector_load %arg7[%get3A_200, %get3A_201] {strides = array<i32>} : memref<16x1024xf32, #tpu.memory_space<vmem>>, vector<1x16xf32>,
      %get3A_203 = vector.shape_cast %get3A_202 : vector<1x16xf32> to vector<16xf32>
      %add3A_204 = arith.addf %get3A_198, %get3A_203 : vector<16xf32>
      %swap3A_205 = arith.constant 4 : i32
      %swap3A_206 = arith.index_cast %swap3A_205 : i32 to index
      %swap3A_207 = arith.index_cast %mul3A_127 : i32 to index
      %swap3A_208 = tpu.vector_load %arg5[%swap3A_206, %swap3A_207] {strides = array<i32>} : memref<16x1024xf32, #tpu.memory_space<vmem>>, vector<1x16xf32>,
      %swap3A_209 = vector.shape_cast %swap3A_208 : vector<1x16xf32> to vector<16xf32>
      %swap3A_210 = vector.shape_cast %add3A_204 : vector<16xf32> to vector<1x16xf32>
      tpu.vector_store %arg5[%swap3A_206, %swap3A_207], %swap3A_210 {strides = array<i32>} : memref<16x1024xf32, #tpu.memory_space<vmem>>, vector<1x16xf32>,
      %get3A_211 = arith.constant 5 : i32
      %get3A_212 = arith.index_cast %get3A_211 : i32 to index
      %get3A_213 = arith.index_cast %mul3A_127 : i32 to index
      %get3A_214 = tpu.vector_load %arg5[%get3A_212, %get3A_213] {strides = array<i32>} : memref<16x1024xf32, #tpu.memory_space<vmem>>, vector<1x16xf32>,
      %get3A_215 = vector.shape_cast %get3A_214 : vector<1x16xf32> to vector<16xf32>
      %get3A_216 = arith.constant 5 : i32
      %get3A_217 = arith.index_cast %get3A_216 : i32 to index
      %get3A_218 = arith.index_cast %mul3A_127 : i32 to index
      %get3A_219 = tpu.vector_load %arg7[%get3A_217, %get3A_218] {strides = array<i32>} : memref<16x1024xf32, #tpu.memory_space<vmem>>, vector<1x16xf32>,
      %get3A_220 = vector.shape_cast %get3A_219 : vector<1x16xf32> to vector<16xf32>
      %add3A_221 = arith.addf %get3A_215, %get3A_220 : vector<16xf32>
      %swap3A_222 = arith.constant 5 : i32
      %swap3A_223 = arith.index_cast %swap3A_222 : i32 to index
      %swap3A_224 = arith.index_cast %mul3A_127 : i32 to index
      %swap3A_225 = tpu.vector_load %arg5[%swap3A_223, %swap3A_224] {strides = array<i32>} : memref<16x1024xf32, #tpu.memory_space<vmem>>, vector<1x16xf32>,
      %swap3A_226 = vector.shape_cast %swap3A_225 : vector<1x16xf32> to vector<16xf32>
      %swap3A_227 = vector.shape_cast %add3A_221 : vector<16xf32> to vector<1x16xf32>
      tpu.vector_store %arg5[%swap3A_223, %swap3A_224], %swap3A_227 {strides = array<i32>} : memref<16x1024xf32, #tpu.memory_space<vmem>>, vector<1x16xf32>,
      %get3A_228 = arith.constant 6 : i32
      %get3A_229 = arith.index_cast %get3A_228 : i32 to index
      %get3A_230 = arith.index_cast %mul3A_127 : i32 to index
      %get3A_231 = tpu.vector_load %arg5[%get3A_229, %get3A_230] {strides = array<i32>} : memref<16x1024xf32, #tpu.memory_space<vmem>>, vector<1x16xf32>,
      %get3A_232 = vector.shape_cast %get3A_231 : vector<1x16xf32> to vector<16xf32>
      %get3A_233 = arith.constant 6 : i32
      %get3A_234 = arith.index_cast %get3A_233 : i32 to index
      %get3A_235 = arith.index_cast %mul3A_127 : i32 to index
      %get3A_236 = tpu.vector_load %arg7[%get3A_234, %get3A_235] {strides = array<i32>} : memref<16x1024xf32, #tpu.memory_space<vmem>>, vector<1x16xf32>,
      %get3A_237 = vector.shape_cast %get3A_236 : vector<1x16xf32> to vector<16xf32>
      %add3A_238 = arith.addf %get3A_232, %get3A_237 : vector<16xf32>
      %swap3A_239 = arith.constant 6 : i32
      %swap3A_240 = arith.index_cast %swap3A_239 : i32 to index
      %swap3A_241 = arith.index_cast %mul3A_127 : i32 to index
      %swap3A_242 = tpu.vector_load %arg5[%swap3A_240, %swap3A_241] {strides = array<i32>} : memref<16x1024xf32, #tpu.memory_space<vmem>>, vector<1x16xf32>,
      %swap3A_243 = vector.shape_cast %swap3A_242 : vector<1x16xf32> to vector<16xf32>
      %swap3A_244 = vector.shape_cast %add3A_238 : vector<16xf32> to vector<1x16xf32>
      tpu.vector_store %arg5[%swap3A_240, %swap3A_241], %swap3A_244 {strides = array<i32>} : memref<16x1024xf32, #tpu.memory_space<vmem>>, vector<1x16xf32>,
      %get3A_245 = arith.constant 7 : i32
      %get3A_246 = arith.index_cast %get3A_245 : i32 to index
      %get3A_247 = arith.index_cast %mul3A_127 : i32 to index
      %get3A_248 = tpu.vector_load %arg5[%get3A_246, %get3A_247] {strides = array<i32>} : memref<16x1024xf32, #tpu.memory_space<vmem>>, vector<1x16xf32>,
      %get3A_249 = vector.shape_cast %get3A_248 : vector<1x16xf32> to vector<16xf32>
      %get3A_250 = arith.constant 7 : i32
      %get3A_251 = arith.index_cast %get3A_250 : i32 to index
      %get3A_252 = arith.index_cast %mul3A_127 : i32 to index
      %get3A_253 = tpu.vector_load %arg7[%get3A_251, %get3A_252] {strides = array<i32>} : memref<16x1024xf32, #tpu.memory_space<vmem>>, vector<1x16xf32>,
      %get3A_254 = vector.shape_cast %get3A_253 : vector<1x16xf32> to vector<16xf32>
      %add3A_255 = arith.addf %get3A_249, %get3A_254 : vector<16xf32>
      %swap3A_256 = arith.constant 7 : i32
      %swap3A_257 = arith.index_cast %swap3A_256 : i32 to index
      %swap3A_258 = arith.index_cast %mul3A_127 : i32 to index
      %swap3A_259 = tpu.vector_load %arg5[%swap3A_257, %swap3A_258] {strides = array<i32>} : memref<16x1024xf32, #tpu.memory_space<vmem>>, vector<1x16xf32>,
      %swap3A_260 = vector.shape_cast %swap3A_259 : vector<1x16xf32> to vector<16xf32>
      %swap3A_261 = vector.shape_cast %add3A_255 : vector<16xf32> to vector<1x16xf32>
      tpu.vector_store %arg5[%swap3A_257, %swap3A_258], %swap3A_261 {strides = array<i32>} : memref<16x1024xf32, #tpu.memory_space<vmem>>, vector<1x16xf32>,
      %get3A_262 = arith.constant 8 : i32
      %get3A_263 = arith.index_cast %get3A_262 : i32 to index
      %get3A_264 = arith.index_cast %mul3A_127 : i32 to index
      %get3A_265 = tpu.vector_load %arg5[%get3A_263, %get3A_264] {strides = array<i32>} : memref<16x1024xf32, #tpu.memory_space<vmem>>, vector<1x16xf32>,
      %get3A_266 = vector.shape_cast %get3A_265 : vector<1x16xf32> to vector<16xf32>
      %get3A_267 = arith.constant 8 : i32
      %get3A_268 = arith.index_cast %get3A_267 : i32 to index
      %get3A_269 = arith.index_cast %mul3A_127 : i32 to index
      %get3A_270 = tpu.vector_load %arg7[%get3A_268, %get3A_269] {strides = array<i32>} : memref<16x1024xf32, #tpu.memory_space<vmem>>, vector<1x16xf32>,
      %get3A_271 = vector.shape_cast %get3A_270 : vector<1x16xf32> to vector<16xf32>
      %add3A_272 = arith.addf %get3A_266, %get3A_271 : vector<16xf32>
      %swap3A_273 = arith.constant 8 : i32
      %swap3A_274 = arith.index_cast %swap3A_273 : i32 to index
      %swap3A_275 = arith.index_cast %mul3A_127 : i32 to index
      %swap3A_276 = tpu.vector_load %arg5[%swap3A_274, %swap3A_275] {strides = array<i32>} : memref<16x1024xf32, #tpu.memory_space<vmem>>, vector<1x16xf32>,
      %swap3A_277 = vector.shape_cast %swap3A_276 : vector<1x16xf32> to vector<16xf32>
      %swap3A_278 = vector.shape_cast %add3A_272 : vector<16xf32> to vector<1x16xf32>
      tpu.vector_store %arg5[%swap3A_274, %swap3A_275], %swap3A_278 {strides = array<i32>} : memref<16x1024xf32, #tpu.memory_space<vmem>>, vector<1x16xf32>,
      %get3A_279 = arith.constant 9 : i32
      %get3A_280 = arith.index_cast %get3A_279 : i32 to index
      %get3A_281 = arith.index_cast %mul3A_127 : i32 to index
      %get3A_282 = tpu.vector_load %arg5[%get3A_280, %get3A_281] {strides = array<i32>} : memref<16x1024xf32, #tpu.memory_space<vmem>>, vector<1x16xf32>,
      %get3A_283 = vector.shape_cast %get3A_282 : vector<1x16xf32> to vector<16xf32>
      %get3A_284 = arith.constant 9 : i32
      %get3A_285 = arith.index_cast %get3A_284 : i32 to index
      %get3A_286 = arith.index_cast %mul3A_127 : i32 to index
      %get3A_287 = tpu.vector_load %arg7[%get3A_285, %get3A_286] {strides = array<i32>} : memref<16x1024xf32, #tpu.memory_space<vmem>>, vector<1x16xf32>,
      %get3A_288 = vector.shape_cast %get3A_287 : vector<1x16xf32> to vector<16xf32>
      %add3A_289 = arith.addf %get3A_283, %get3A_288 : vector<16xf32>
      %swap3A_290 = arith.constant 9 : i32
      %swap3A_291 = arith.index_cast %swap3A_290 : i32 to index
      %swap3A_292 = arith.index_cast %mul3A_127 : i32 to index
      %swap3A_293 = tpu.vector_load %arg5[%swap3A_291, %swap3A_292] {strides = array<i32>} : memref<16x1024xf32, #tpu.memory_space<vmem>>, vector<1x16xf32>,
      %swap3A_294 = vector.shape_cast %swap3A_293 : vector<1x16xf32> to vector<16xf32>
      %swap3A_295 = vector.shape_cast %add3A_289 : vector<16xf32> to vector<1x16xf32>
      tpu.vector_store %arg5[%swap3A_291, %swap3A_292], %swap3A_295 {strides = array<i32>} : memref<16x1024xf32, #tpu.memory_space<vmem>>, vector<1x16xf32>,
      %get3A_296 = arith.constant 10 : i32
      %get3A_297 = arith.index_cast %get3A_296 : i32 to index
      %get3A_298 = arith.index_cast %mul3A_127 : i32 to index
      %get3A_299 = tpu.vector_load %arg5[%get3A_297, %get3A_298] {strides = array<i32>} : memref<16x1024xf32, #tpu.memory_space<vmem>>, vector<1x16xf32>,
      %get3A_300 = vector.shape_cast %get3A_299 : vector<1x16xf32> to vector<16xf32>
      %get3A_301 = arith.constant 10 : i32
      %get3A_302 = arith.index_cast %get3A_301 : i32 to index
      %get3A_303 = arith.index_cast %mul3A_127 : i32 to index
      %get3A_304 = tpu.vector_load %arg7[%get3A_302, %get3A_303] {strides = array<i32>} : memref<16x1024xf32, #tpu.memory_space<vmem>>, vector<1x16xf32>,
      %get3A_305 = vector.shape_cast %get3A_304 : vector<1x16xf32> to vector<16xf32>
      %add3A_306 = arith.addf %get3A_300, %get3A_305 : vector<16xf32>
      %swap3A_307 = arith.constant 10 : i32
      %swap3A_308 = arith.index_cast %swap3A_307 : i32 to index
      %swap3A_309 = arith.index_cast %mul3A_127 : i32 to index
      %swap3A_310 = tpu.vector_load %arg5[%swap3A_308, %swap3A_309] {strides = array<i32>} : memref<16x1024xf32, #tpu.memory_space<vmem>>, vector<1x16xf32>,
      %swap3A_311 = vector.shape_cast %swap3A_310 : vector<1x16xf32> to vector<16xf32>
      %swap3A_312 = vector.shape_cast %add3A_306 : vector<16xf32> to vector<1x16xf32>
      tpu.vector_store %arg5[%swap3A_308, %swap3A_309], %swap3A_312 {strides = array<i32>} : memref<16x1024xf32, #tpu.memory_space<vmem>>, vector<1x16xf32>,
      %get3A_313 = arith.constant 11 : i32
      %get3A_314 = arith.index_cast %get3A_313 : i32 to index
      %get3A_315 = arith.index_cast %mul3A_127 : i32 to index
      %get3A_316 = tpu.vector_load %arg5[%get3A_314, %get3A_315] {strides = array<i32>} : memref<16x1024xf32, #tpu.memory_space<vmem>>, vector<1x16xf32>,
      %get3A_317 = vector.shape_cast %get3A_316 : vector<1x16xf32> to vector<16xf32>
      %get3A_318 = arith.constant 11 : i32
      %get3A_319 = arith.index_cast %get3A_318 : i32 to index
      %get3A_320 = arith.index_cast %mul3A_127 : i32 to index
      %get3A_321 = tpu.vector_load %arg7[%get3A_319, %get3A_320] {strides = array<i32>} : memref<16x1024xf32, #tpu.memory_space<vmem>>, vector<1x16xf32>,
      %get3A_322 = vector.shape_cast %get3A_321 : vector<1x16xf32> to vector<16xf32>
      %add3A_323 = arith.addf %get3A_317, %get3A_322 : vector<16xf32>
      %swap3A_324 = arith.constant 11 : i32
      %swap3A_325 = arith.index_cast %swap3A_324 : i32 to index
      %swap3A_326 = arith.index_cast %mul3A_127 : i32 to index
      %swap3A_327 = tpu.vector_load %arg5[%swap3A_325, %swap3A_326] {strides = array<i32>} : memref<16x1024xf32, #tpu.memory_space<vmem>>, vector<1x16xf32>,
      %swap3A_328 = vector.shape_cast %swap3A_327 : vector<1x16xf32> to vector<16xf32>
      %swap3A_329 = vector.shape_cast %add3A_323 : vector<16xf32> to vector<1x16xf32>
      tpu.vector_store %arg5[%swap3A_325, %swap3A_326], %swap3A_329 {strides = array<i32>} : memref<16x1024xf32, #tpu.memory_space<vmem>>, vector<1x16xf32>,
      %get3A_330 = arith.constant 12 : i32
      %get3A_331 = arith.index_cast %get3A_330 : i32 to index
      %get3A_332 = arith.index_cast %mul3A_127 : i32 to index
      %get3A_333 = tpu.vector_load %arg5[%get3A_331, %get3A_332] {strides = array<i32>} : memref<16x1024xf32, #tpu.memory_space<vmem>>, vector<1x16xf32>,
      %get3A_334 = vector.shape_cast %get3A_333 : vector<1x16xf32> to vector<16xf32>
      %get3A_335 = arith.constant 12 : i32
      %get3A_336 = arith.index_cast %get3A_335 : i32 to index
      %get3A_337 = arith.index_cast %mul3A_127 : i32 to index
      %get3A_338 = tpu.vector_load %arg7[%get3A_336, %get3A_337] {strides = array<i32>} : memref<16x1024xf32, #tpu.memory_space<vmem>>, vector<1x16xf32>,
      %get3A_339 = vector.shape_cast %get3A_338 : vector<1x16xf32> to vector<16xf32>
      %add3A_340 = arith.addf %get3A_334, %get3A_339 : vector<16xf32>
      %swap3A_341 = arith.constant 12 : i32
      %swap3A_342 = arith.index_cast %swap3A_341 : i32 to index
      %swap3A_343 = arith.index_cast %mul3A_127 : i32 to index
      %swap3A_344 = tpu.vector_load %arg5[%swap3A_342, %swap3A_343] {strides = array<i32>} : memref<16x1024xf32, #tpu.memory_space<vmem>>, vector<1x16xf32>,
      %swap3A_345 = vector.shape_cast %swap3A_344 : vector<1x16xf32> to vector<16xf32>
      %swap3A_346 = vector.shape_cast %add3A_340 : vector<16xf32> to vector<1x16xf32>
      tpu.vector_store %arg5[%swap3A_342, %swap3A_343], %swap3A_346 {strides = array<i32>} : memref<16x1024xf32, #tpu.memory_space<vmem>>, vector<1x16xf32>,
      %get3A_347 = arith.constant 13 : i32
      %get3A_348 = arith.index_cast %get3A_347 : i32 to index
      %get3A_349 = arith.index_cast %mul3A_127 : i32 to index
      %get3A_350 = tpu.vector_load %arg5[%get3A_348, %get3A_349] {strides = array<i32>} : memref<16x1024xf32, #tpu.memory_space<vmem>>, vector<1x16xf32>,
      %get3A_351 = vector.shape_cast %get3A_350 : vector<1x16xf32> to vector<16xf32>
      %get3A_352 = arith.constant 13 : i32
      %get3A_353 = arith.index_cast %get3A_352 : i32 to index
      %get3A_354 = arith.index_cast %mul3A_127 : i32 to index
      %get3A_355 = tpu.vector_load %arg7[%get3A_353, %get3A_354] {strides = array<i32>} : memref<16x1024xf32, #tpu.memory_space<vmem>>, vector<1x16xf32>,
      %get3A_356 = vector.shape_cast %get3A_355 : vector<1x16xf32> to vector<16xf32>
      %add3A_357 = arith.addf %get3A_351, %get3A_356 : vector<16xf32>
      %swap3A_358 = arith.constant 13 : i32
      %swap3A_359 = arith.index_cast %swap3A_358 : i32 to index
      %swap3A_360 = arith.index_cast %mul3A_127 : i32 to index
      %swap3A_361 = tpu.vector_load %arg5[%swap3A_359, %swap3A_360] {strides = array<i32>} : memref<16x1024xf32, #tpu.memory_space<vmem>>, vector<1x16xf32>,
      %swap3A_362 = vector.shape_cast %swap3A_361 : vector<1x16xf32> to vector<16xf32>
      %swap3A_363 = vector.shape_cast %add3A_357 : vector<16xf32> to vector<1x16xf32>
      tpu.vector_store %arg5[%swap3A_359, %swap3A_360], %swap3A_363 {strides = array<i32>} : memref<16x1024xf32, #tpu.memory_space<vmem>>, vector<1x16xf32>,
      %get3A_364 = arith.constant 14 : i32
      %get3A_365 = arith.index_cast %get3A_364 : i32 to index
      %get3A_366 = arith.index_cast %mul3A_127 : i32 to index
      %get3A_367 = tpu.vector_load %arg5[%get3A_365, %get3A_366] {strides = array<i32>} : memref<16x1024xf32, #tpu.memory_space<vmem>>, vector<1x16xf32>,
      %get3A_368 = vector.shape_cast %get3A_367 : vector<1x16xf32> to vector<16xf32>
      %get3A_369 = arith.constant 14 : i32
      %get3A_370 = arith.index_cast %get3A_369 : i32 to index
      %get3A_371 = arith.index_cast %mul3A_127 : i32 to index
      %get3A_372 = tpu.vector_load %arg7[%get3A_370, %get3A_371] {strides = array<i32>} : memref<16x1024xf32, #tpu.memory_space<vmem>>, vector<1x16xf32>,
      %get3A_373 = vector.shape_cast %get3A_372 : vector<1x16xf32> to vector<16xf32>
      %add3A_374 = arith.addf %get3A_368, %get3A_373 : vector<16xf32>
      %swap3A_375 = arith.constant 14 : i32
      %swap3A_376 = arith.index_cast %swap3A_375 : i32 to index
      %swap3A_377 = arith.index_cast %mul3A_127 : i32 to index
      %swap3A_378 = tpu.vector_load %arg5[%swap3A_376, %swap3A_377] {strides = array<i32>} : memref<16x1024xf32, #tpu.memory_space<vmem>>, vector<1x16xf32>,
      %swap3A_379 = vector.shape_cast %swap3A_378 : vector<1x16xf32> to vector<16xf32>
      %swap3A_380 = vector.shape_cast %add3A_374 : vector<16xf32> to vector<1x16xf32>
      tpu.vector_store %arg5[%swap3A_376, %swap3A_377], %swap3A_380 {strides = array<i32>} : memref<16x1024xf32, #tpu.memory_space<vmem>>, vector<1x16xf32>,
      %get3A_381 = arith.constant 15 : i32
      %get3A_382 = arith.index_cast %get3A_381 : i32 to index
      %get3A_383 = arith.index_cast %mul3A_127 : i32 to index
      %get3A_384 = tpu.vector_load %arg5[%get3A_382, %get3A_383] {strides = array<i32>} : memref<16x1024xf32, #tpu.memory_space<vmem>>, vector<1x16xf32>,
      %get3A_385 = vector.shape_cast %get3A_384 : vector<1x16xf32> to vector<16xf32>
      %get3A_386 = arith.constant 15 : i32
      %get3A_387 = arith.index_cast %get3A_386 : i32 to index
      %get3A_388 = arith.index_cast %mul3A_127 : i32 to index
      %get3A_389 = tpu.vector_load %arg7[%get3A_387, %get3A_388] {strides = array<i32>} : memref<16x1024xf32, #tpu.memory_space<vmem>>, vector<1x16xf32>,
      %get3A_390 = vector.shape_cast %get3A_389 : vector<1x16xf32> to vector<16xf32>
      %add3A_391 = arith.addf %get3A_385, %get3A_390 : vector<16xf32>
      %swap3A_392 = arith.constant 15 : i32
      %swap3A_393 = arith.index_cast %swap3A_392 : i32 to index
      %swap3A_394 = arith.index_cast %mul3A_127 : i32 to index
      %swap3A_395 = tpu.vector_load %arg5[%swap3A_393, %swap3A_394] {strides = array<i32>} : memref<16x1024xf32, #tpu.memory_space<vmem>>, vector<1x16xf32>,
      %swap3A_396 = vector.shape_cast %swap3A_395 : vector<1x16xf32> to vector<16xf32>
      %swap3A_397 = vector.shape_cast %add3A_391 : vector<16xf32> to vector<1x16xf32>
      tpu.vector_store %arg5[%swap3A_393, %swap3A_394], %swap3A_397 {strides = array<i32>} : memref<16x1024xf32, #tpu.memory_space<vmem>>, vector<1x16xf32>,
      %scan3A_398 = arith.constant 0 : i32
      scf.yield %scan3A_398 : i32
    }
    %scan3A_26 = arith.constant 64 : i32
    %add3A_27 = arith.constant 0 : i32
    %add3A_28 = arith.addi %mul3A_2, %add3A_27 : i32
    %dma_start3A_29 = arith.constant 0 : i32
    %dma_start3A_30 = tpu.memref_slice %arg4[%add3A_28, %dma_start3A_29] : memref<2048x1024xf32, #tpu.memory_space<hbm>> -> memref<16x1024xf32, #tpu.memory_space<hbm>>
    %dma_start3A_31 = arith.constant 0 : i32
    %dma_start3A_32 = tpu.memref_slice %arg4[%add3A_28, %dma_start3A_31] : memref<2048x1024xf32, #tpu.memory_space<hbm>> -> memref<16x1024xf32, #tpu.memory_space<hbm>>
    tpu.enqueue_dma source(%arg5 : memref<16x1024xf32, #tpu.memory_space<vmem>>) target(%dma_start3A_32 : memref<16x1024xf32, #tpu.memory_space<hbm>>) target_semaphore(%arg10 : memref<!tpu.dma_semaphore, #tpu.memory_space<semaphore_mem>>)
    %add3A_33 = arith.constant 16 : i32
    %add3A_34 = arith.addi %mul3A_2, %add3A_33 : i32
    "tpu.region"() ({
      %run_scoped3A = tpu.sem_alloc : memref<!tpu.dma_semaphore, #tpu.memory_space<semaphore_mem>>
      %dma_start3A_124 = arith.constant 0 : i32
      %dma_start3A_125 = tpu.memref_slice %arg3[%add3A_34, %dma_start3A_124] : memref<2048x1024xf32, #tpu.memory_space<hbm>> -> memref<16x1024xf32, #tpu.memory_space<hbm>>
      %dma_start3A_126 = arith.constant 0 : i32
      %dma_start3A_127 = tpu.memref_slice %arg3[%add3A_34, %dma_start3A_126] : memref<2048x1024xf32, #tpu.memory_space<hbm>> -> memref<16x1024xf32, #tpu.memory_space<hbm>>
      tpu.enqueue_dma source(%dma_start3A_127 : memref<16x1024xf32, #tpu.memory_space<hbm>>) target(%arg7 : memref<16x1024xf32, #tpu.memory_space<vmem>>) target_semaphore(%run_scoped3A : memref<!tpu.dma_semaphore, #tpu.memory_space<semaphore_mem>>)
      %dma_wait3A_128 = arith.constant 0 : i32
      %dma_wait3A_129 = tpu.memref_slice %arg3[%add3A_34, %dma_wait3A_128] : memref<2048x1024xf32, #tpu.memory_space<hbm>> -> memref<16x1024xf32, #tpu.memory_space<hbm>>
      %dma_wait3A_130 = arith.constant 0 : i32
      %dma_wait3A_131 = tpu.memref_slice %arg3[%add3A_34, %dma_wait3A_130] : memref<2048x1024xf32, #tpu.memory_space<hbm>> -> memref<16x1024xf32, #tpu.memory_space<hbm>>
      tpu.wait_dma2 semaphore(%run_scoped3A : memref<!tpu.dma_semaphore, #tpu.memory_space<semaphore_mem>>) src(%dma_wait3A_131 : memref<16x1024xf32, #tpu.memory_space<hbm>>) dst(%arg7 : memref<16x1024xf32, #tpu.memory_space<vmem>>)
      tpu.yield
    }) : () -> ()
    %dma_wait3A_35 = arith.constant 0 : i32
    %dma_wait3A_36 = tpu.memref_slice %arg4[%add3A_28, %dma_wait3A_35] : memref<2048x1024xf32, #tpu.memory_space<hbm>> -> memref<16x1024xf32, #tpu.memory_space<hbm>>
    %dma_wait3A_37 = arith.constant 0 : i32
    %dma_wait3A_38 = tpu.memref_slice %arg4[%add3A_28, %dma_wait3A_37] : memref<2048x1024xf32, #tpu.memory_space<hbm>> -> memref<16x1024xf32, #tpu.memory_space<hbm>>
    tpu.wait_dma2 semaphore(%arg10 : memref<!tpu.dma_semaphore, #tpu.memory_space<semaphore_mem>>) src(%arg5 : memref<16x1024xf32, #tpu.memory_space<vmem>>) dst(%dma_wait3A_38 : memref<16x1024xf32, #tpu.memory_space<hbm>>)
    %add3A_39 = arith.constant 32 : i32
    %add3A_40 = arith.addi %mul3A_2, %add3A_39 : i32
    %dma_start3A_41 = arith.constant 0 : i32
    %dma_start3A_42 = tpu.memref_slice %arg2[%add3A_40, %dma_start3A_41] : memref<2048x1024xf32, #tpu.memory_space<hbm>> -> memref<16x1024xf32, #tpu.memory_space<hbm>>
    %dma_start3A_43 = arith.constant 0 : i32
    %dma_start3A_44 = tpu.memref_slice %arg2[%add3A_40, %dma_start3A_43] : memref<2048x1024xf32, #tpu.memory_space<hbm>> -> memref<16x1024xf32, #tpu.memory_space<hbm>>
    tpu.enqueue_dma source(%dma_start3A_44 : memref<16x1024xf32, #tpu.memory_space<hbm>>) target(%arg5 : memref<16x1024xf32, #tpu.memory_space<vmem>>) target_semaphore(%arg8 : memref<!tpu.dma_semaphore, #tpu.memory_space<semaphore_mem>>)
    %add3A_45 = arith.constant 16 : i32
    %add3A_46 = arith.addi %mul3A_2, %add3A_45 : i32
    %dma_wait3A_47 = arith.constant 0 : i32
    %dma_wait3A_48 = tpu.memref_slice %arg2[%add3A_46, %dma_wait3A_47] : memref<2048x1024xf32, #tpu.memory_space<hbm>> -> memref<16x1024xf32, #tpu.memory_space<hbm>>
    %dma_wait3A_49 = arith.constant 0 : i32
    %dma_wait3A_50 = tpu.memref_slice %arg2[%add3A_46, %dma_wait3A_49] : memref<2048x1024xf32, #tpu.memory_space<hbm>> -> memref<16x1024xf32, #tpu.memory_space<hbm>>
    tpu.wait_dma2 semaphore(%arg9 : memref<!tpu.dma_semaphore, #tpu.memory_space<semaphore_mem>>) src(%dma_wait3A_50 : memref<16x1024xf32, #tpu.memory_space<hbm>>) dst(%arg6 : memref<16x1024xf32, #tpu.memory_space<vmem>>)
    %scan3A_51 = arith.constant 0 : i32
    %scan3A_52 = arith.constant 0 : i32
    %scan3A_53 = arith.constant 64 : i32
    %scan3A_54 = arith.addi %scan3A_52, %scan3A_53 : i32
    %scan3A_55 = arith.constant 1 : i32
    %scan3A_56 = scf.for %scan3A_124 = %scan3A_52 to %scan3A_54 step %scan3A_55 iter_args(%scan3A_125 = %scan3A_51) -> (i32)  : i32 {
      %mul3A_126 = arith.constant 16 : i32
      %mul3A_127 = arith.muli %scan3A_124, %mul3A_126 : i32
      %get3A = arith.constant 0 : i32
      %get3A_128 = arith.index_cast %get3A : i32 to index
      %get3A_129 = arith.index_cast %mul3A_127 : i32 to index
      %get3A_130 = tpu.vector_load %arg6[%get3A_128, %get3A_129] {strides = array<i32>} : memref<16x1024xf32, #tpu.memory_space<vmem>>, vector<1x16xf32>,
      %get3A_131 = vector.shape_cast %get3A_130 : vector<1x16xf32> to vector<16xf32>
      %get3A_132 = arith.constant 0 : i32
      %get3A_133 = arith.index_cast %get3A_132 : i32 to index
      %get3A_134 = arith.index_cast %mul3A_127 : i32 to index
      %get3A_135 = tpu.vector_load %arg7[%get3A_133, %get3A_134] {strides = array<i32>} : memref<16x1024xf32, #tpu.memory_space<vmem>>, vector<1x16xf32>,
      %get3A_136 = vector.shape_cast %get3A_135 : vector<1x16xf32> to vector<16xf32>
      %add3A_137 = arith.addf %get3A_131, %get3A_136 : vector<16xf32>
      %swap3A = arith.constant 0 : i32
      %swap3A_138 = arith.index_cast %swap3A : i32 to index
      %swap3A_139 = arith.index_cast %mul3A_127 : i32 to index
      %swap3A_140 = tpu.vector_load %arg6[%swap3A_138, %swap3A_139] {strides = array<i32>} : memref<16x1024xf32, #tpu.memory_space<vmem>>, vector<1x16xf32>,
      %swap3A_141 = vector.shape_cast %swap3A_140 : vector<1x16xf32> to vector<16xf32>
      %swap3A_142 = vector.shape_cast %add3A_137 : vector<16xf32> to vector<1x16xf32>
      tpu.vector_store %arg6[%swap3A_138, %swap3A_139], %swap3A_142 {strides = array<i32>} : memref<16x1024xf32, #tpu.memory_space<vmem>>, vector<1x16xf32>,
      %get3A_143 = arith.constant 1 : i32
      %get3A_144 = arith.index_cast %get3A_143 : i32 to index
      %get3A_145 = arith.index_cast %mul3A_127 : i32 to index
      %get3A_146 = tpu.vector_load %arg6[%get3A_144, %get3A_145] {strides = array<i32>} : memref<16x1024xf32, #tpu.memory_space<vmem>>, vector<1x16xf32>,
      %get3A_147 = vector.shape_cast %get3A_146 : vector<1x16xf32> to vector<16xf32>
      %get3A_148 = arith.constant 1 : i32
      %get3A_149 = arith.index_cast %get3A_148 : i32 to index
      %get3A_150 = arith.index_cast %mul3A_127 : i32 to index
      %get3A_151 = tpu.vector_load %arg7[%get3A_149, %get3A_150] {strides = array<i32>} : memref<16x1024xf32, #tpu.memory_space<vmem>>, vector<1x16xf32>,
      %get3A_152 = vector.shape_cast %get3A_151 : vector<1x16xf32> to vector<16xf32>
      %add3A_153 = arith.addf %get3A_147, %get3A_152 : vector<16xf32>
      %swap3A_154 = arith.constant 1 : i32
      %swap3A_155 = arith.index_cast %swap3A_154 : i32 to index
      %swap3A_156 = arith.index_cast %mul3A_127 : i32 to index
      %swap3A_157 = tpu.vector_load %arg6[%swap3A_155, %swap3A_156] {strides = array<i32>} : memref<16x1024xf32, #tpu.memory_space<vmem>>, vector<1x16xf32>,
      %swap3A_158 = vector.shape_cast %swap3A_157 : vector<1x16xf32> to vector<16xf32>
      %swap3A_159 = vector.shape_cast %add3A_153 : vector<16xf32> to vector<1x16xf32>
      tpu.vector_store %arg6[%swap3A_155, %swap3A_156], %swap3A_159 {strides = array<i32>} : memref<16x1024xf32, #tpu.memory_space<vmem>>, vector<1x16xf32>,
      %get3A_160 = arith.constant 2 : i32
      %get3A_161 = arith.index_cast %get3A_160 : i32 to index
      %get3A_162 = arith.index_cast %mul3A_127 : i32 to index
      %get3A_163 = tpu.vector_load %arg6[%get3A_161, %get3A_162] {strides = array<i32>} : memref<16x1024xf32, #tpu.memory_space<vmem>>, vector<1x16xf32>,
      %get3A_164 = vector.shape_cast %get3A_163 : vector<1x16xf32> to vector<16xf32>
      %get3A_165 = arith.constant 2 : i32
      %get3A_166 = arith.index_cast %get3A_165 : i32 to index
      %get3A_167 = arith.index_cast %mul3A_127 : i32 to index
      %get3A_168 = tpu.vector_load %arg7[%get3A_166, %get3A_167] {strides = array<i32>} : memref<16x1024xf32, #tpu.memory_space<vmem>>, vector<1x16xf32>,
      %get3A_169 = vector.shape_cast %get3A_168 : vector<1x16xf32> to vector<16xf32>
      %add3A_170 = arith.addf %get3A_164, %get3A_169 : vector<16xf32>
      %swap3A_171 = arith.constant 2 : i32
      %swap3A_172 = arith.index_cast %swap3A_171 : i32 to index
      %swap3A_173 = arith.index_cast %mul3A_127 : i32 to index
      %swap3A_174 = tpu.vector_load %arg6[%swap3A_172, %swap3A_173] {strides = array<i32>} : memref<16x1024xf32, #tpu.memory_space<vmem>>, vector<1x16xf32>,
      %swap3A_175 = vector.shape_cast %swap3A_174 : vector<1x16xf32> to vector<16xf32>
      %swap3A_176 = vector.shape_cast %add3A_170 : vector<16xf32> to vector<1x16xf32>
      tpu.vector_store %arg6[%swap3A_172, %swap3A_173], %swap3A_176 {strides = array<i32>} : memref<16x1024xf32, #tpu.memory_space<vmem>>, vector<1x16xf32>,
      %get3A_177 = arith.constant 3 : i32
      %get3A_178 = arith.index_cast %get3A_177 : i32 to index
      %get3A_179 = arith.index_cast %mul3A_127 : i32 to index
      %get3A_180 = tpu.vector_load %arg6[%get3A_178, %get3A_179] {strides = array<i32>} : memref<16x1024xf32, #tpu.memory_space<vmem>>, vector<1x16xf32>,
      %get3A_181 = vector.shape_cast %get3A_180 : vector<1x16xf32> to vector<16xf32>
      %get3A_182 = arith.constant 3 : i32
      %get3A_183 = arith.index_cast %get3A_182 : i32 to index
      %get3A_184 = arith.index_cast %mul3A_127 : i32 to index
      %get3A_185 = tpu.vector_load %arg7[%get3A_183, %get3A_184] {strides = array<i32>} : memref<16x1024xf32, #tpu.memory_space<vmem>>, vector<1x16xf32>,
      %get3A_186 = vector.shape_cast %get3A_185 : vector<1x16xf32> to vector<16xf32>
      %add3A_187 = arith.addf %get3A_181, %get3A_186 : vector<16xf32>
      %swap3A_188 = arith.constant 3 : i32
      %swap3A_189 = arith.index_cast %swap3A_188 : i32 to index
      %swap3A_190 = arith.index_cast %mul3A_127 : i32 to index
      %swap3A_191 = tpu.vector_load %arg6[%swap3A_189, %swap3A_190] {strides = array<i32>} : memref<16x1024xf32, #tpu.memory_space<vmem>>, vector<1x16xf32>,
      %swap3A_192 = vector.shape_cast %swap3A_191 : vector<1x16xf32> to vector<16xf32>
      %swap3A_193 = vector.shape_cast %add3A_187 : vector<16xf32> to vector<1x16xf32>
      tpu.vector_store %arg6[%swap3A_189, %swap3A_190], %swap3A_193 {strides = array<i32>} : memref<16x1024xf32, #tpu.memory_space<vmem>>, vector<1x16xf32>,
      %get3A_194 = arith.constant 4 : i32
      %get3A_195 = arith.index_cast %get3A_194 : i32 to index
      %get3A_196 = arith.index_cast %mul3A_127 : i32 to index
      %get3A_197 = tpu.vector_load %arg6[%get3A_195, %get3A_196] {strides = array<i32>} : memref<16x1024xf32, #tpu.memory_space<vmem>>, vector<1x16xf32>,
      %get3A_198 = vector.shape_cast %get3A_197 : vector<1x16xf32> to vector<16xf32>
      %get3A_199 = arith.constant 4 : i32
      %get3A_200 = arith.index_cast %get3A_199 : i32 to index
      %get3A_201 = arith.index_cast %mul3A_127 : i32 to index
      %get3A_202 = tpu.vector_load %arg7[%get3A_200, %get3A_201] {strides = array<i32>} : memref<16x1024xf32, #tpu.memory_space<vmem>>, vector<1x16xf32>,
      %get3A_203 = vector.shape_cast %get3A_202 : vector<1x16xf32> to vector<16xf32>
      %add3A_204 = arith.addf %get3A_198, %get3A_203 : vector<16xf32>
      %swap3A_205 = arith.constant 4 : i32
      %swap3A_206 = arith.index_cast %swap3A_205 : i32 to index
      %swap3A_207 = arith.index_cast %mul3A_127 : i32 to index
      %swap3A_208 = tpu.vector_load %arg6[%swap3A_206, %swap3A_207] {strides = array<i32>} : memref<16x1024xf32, #tpu.memory_space<vmem>>, vector<1x16xf32>,
      %swap3A_209 = vector.shape_cast %swap3A_208 : vector<1x16xf32> to vector<16xf32>
      %swap3A_210 = vector.shape_cast %add3A_204 : vector<16xf32> to vector<1x16xf32>
      tpu.vector_store %arg6[%swap3A_206, %swap3A_207], %swap3A_210 {strides = array<i32>} : memref<16x1024xf32, #tpu.memory_space<vmem>>, vector<1x16xf32>,
      %get3A_211 = arith.constant 5 : i32
      %get3A_212 = arith.index_cast %get3A_211 : i32 to index
      %get3A_213 = arith.index_cast %mul3A_127 : i32 to index
      %get3A_214 = tpu.vector_load %arg6[%get3A_212, %get3A_213] {strides = array<i32>} : memref<16x1024xf32, #tpu.memory_space<vmem>>, vector<1x16xf32>,
      %get3A_215 = vector.shape_cast %get3A_214 : vector<1x16xf32> to vector<16xf32>
      %get3A_216 = arith.constant 5 : i32
      %get3A_217 = arith.index_cast %get3A_216 : i32 to index
      %get3A_218 = arith.index_cast %mul3A_127 : i32 to index
      %get3A_219 = tpu.vector_load %arg7[%get3A_217, %get3A_218] {strides = array<i32>} : memref<16x1024xf32, #tpu.memory_space<vmem>>, vector<1x16xf32>,
      %get3A_220 = vector.shape_cast %get3A_219 : vector<1x16xf32> to vector<16xf32>
      %add3A_221 = arith.addf %get3A_215, %get3A_220 : vector<16xf32>
      %swap3A_222 = arith.constant 5 : i32
      %swap3A_223 = arith.index_cast %swap3A_222 : i32 to index
      %swap3A_224 = arith.index_cast %mul3A_127 : i32 to index
      %swap3A_225 = tpu.vector_load %arg6[%swap3A_223, %swap3A_224] {strides = array<i32>} : memref<16x1024xf32, #tpu.memory_space<vmem>>, vector<1x16xf32>,
      %swap3A_226 = vector.shape_cast %swap3A_225 : vector<1x16xf32> to vector<16xf32>
      %swap3A_227 = vector.shape_cast %add3A_221 : vector<16xf32> to vector<1x16xf32>
      tpu.vector_store %arg6[%swap3A_223, %swap3A_224], %swap3A_227 {strides = array<i32>} : memref<16x1024xf32, #tpu.memory_space<vmem>>, vector<1x16xf32>,
      %get3A_228 = arith.constant 6 : i32
      %get3A_229 = arith.index_cast %get3A_228 : i32 to index
      %get3A_230 = arith.index_cast %mul3A_127 : i32 to index
      %get3A_231 = tpu.vector_load %arg6[%get3A_229, %get3A_230] {strides = array<i32>} : memref<16x1024xf32, #tpu.memory_space<vmem>>, vector<1x16xf32>,
      %get3A_232 = vector.shape_cast %get3A_231 : vector<1x16xf32> to vector<16xf32>
      %get3A_233 = arith.constant 6 : i32
      %get3A_234 = arith.index_cast %get3A_233 : i32 to index
      %get3A_235 = arith.index_cast %mul3A_127 : i32 to index
      %get3A_236 = tpu.vector_load %arg7[%get3A_234, %get3A_235] {strides = array<i32>} : memref<16x1024xf32, #tpu.memory_space<vmem>>, vector<1x16xf32>,
      %get3A_237 = vector.shape_cast %get3A_236 : vector<1x16xf32> to vector<16xf32>
      %add3A_238 = arith.addf %get3A_232, %get3A_237 : vector<16xf32>
      %swap3A_239 = arith.constant 6 : i32
      %swap3A_240 = arith.index_cast %swap3A_239 : i32 to index
      %swap3A_241 = arith.index_cast %mul3A_127 : i32 to index
      %swap3A_242 = tpu.vector_load %arg6[%swap3A_240, %swap3A_241] {strides = array<i32>} : memref<16x1024xf32, #tpu.memory_space<vmem>>, vector<1x16xf32>,
      %swap3A_243 = vector.shape_cast %swap3A_242 : vector<1x16xf32> to vector<16xf32>
      %swap3A_244 = vector.shape_cast %add3A_238 : vector<16xf32> to vector<1x16xf32>
      tpu.vector_store %arg6[%swap3A_240, %swap3A_241], %swap3A_244 {strides = array<i32>} : memref<16x1024xf32, #tpu.memory_space<vmem>>, vector<1x16xf32>,
      %get3A_245 = arith.constant 7 : i32
      %get3A_246 = arith.index_cast %get3A_245 : i32 to index
      %get3A_247 = arith.index_cast %mul3A_127 : i32 to index
      %get3A_248 = tpu.vector_load %arg6[%get3A_246, %get3A_247] {strides = array<i32>} : memref<16x1024xf32, #tpu.memory_space<vmem>>, vector<1x16xf32>,
      %get3A_249 = vector.shape_cast %get3A_248 : vector<1x16xf32> to vector<16xf32>
      %get3A_250 = arith.constant 7 : i32
      %get3A_251 = arith.index_cast %get3A_250 : i32 to index
      %get3A_252 = arith.index_cast %mul3A_127 : i32 to index
      %get3A_253 = tpu.vector_load %arg7[%get3A_251, %get3A_252] {strides = array<i32>} : memref<16x1024xf32, #tpu.memory_space<vmem>>, vector<1x16xf32>,
      %get3A_254 = vector.shape_cast %get3A_253 : vector<1x16xf32> to vector<16xf32>
      %add3A_255 = arith.addf %get3A_249, %get3A_254 : vector<16xf32>
      %swap3A_256 = arith.constant 7 : i32
      %swap3A_257 = arith.index_cast %swap3A_256 : i32 to index
      %swap3A_258 = arith.index_cast %mul3A_127 : i32 to index
      %swap3A_259 = tpu.vector_load %arg6[%swap3A_257, %swap3A_258] {strides = array<i32>} : memref<16x1024xf32, #tpu.memory_space<vmem>>, vector<1x16xf32>,
      %swap3A_260 = vector.shape_cast %swap3A_259 : vector<1x16xf32> to vector<16xf32>
      %swap3A_261 = vector.shape_cast %add3A_255 : vector<16xf32> to vector<1x16xf32>
      tpu.vector_store %arg6[%swap3A_257, %swap3A_258], %swap3A_261 {strides = array<i32>} : memref<16x1024xf32, #tpu.memory_space<vmem>>, vector<1x16xf32>,
      %get3A_262 = arith.constant 8 : i32
      %get3A_263 = arith.index_cast %get3A_262 : i32 to index
      %get3A_264 = arith.index_cast %mul3A_127 : i32 to index
      %get3A_265 = tpu.vector_load %arg6[%get3A_263, %get3A_264] {strides = array<i32>} : memref<16x1024xf32, #tpu.memory_space<vmem>>, vector<1x16xf32>,
      %get3A_266 = vector.shape_cast %get3A_265 : vector<1x16xf32> to vector<16xf32>
      %get3A_267 = arith.constant 8 : i32
      %get3A_268 = arith.index_cast %get3A_267 : i32 to index
      %get3A_269 = arith.index_cast %mul3A_127 : i32 to index
      %get3A_270 = tpu.vector_load %arg7[%get3A_268, %get3A_269] {strides = array<i32>} : memref<16x1024xf32, #tpu.memory_space<vmem>>, vector<1x16xf32>,
      %get3A_271 = vector.shape_cast %get3A_270 : vector<1x16xf32> to vector<16xf32>
      %add3A_272 = arith.addf %get3A_266, %get3A_271 : vector<16xf32>
      %swap3A_273 = arith.constant 8 : i32
      %swap3A_274 = arith.index_cast %swap3A_273 : i32 to index
      %swap3A_275 = arith.index_cast %mul3A_127 : i32 to index
      %swap3A_276 = tpu.vector_load %arg6[%swap3A_274, %swap3A_275] {strides = array<i32>} : memref<16x1024xf32, #tpu.memory_space<vmem>>, vector<1x16xf32>,
      %swap3A_277 = vector.shape_cast %swap3A_276 : vector<1x16xf32> to vector<16xf32>
      %swap3A_278 = vector.shape_cast %add3A_272 : vector<16xf32> to vector<1x16xf32>
      tpu.vector_store %arg6[%swap3A_274, %swap3A_275], %swap3A_278 {strides = array<i32>} : memref<16x1024xf32, #tpu.memory_space<vmem>>, vector<1x16xf32>,
      %get3A_279 = arith.constant 9 : i32
      %get3A_280 = arith.index_cast %get3A_279 : i32 to index
      %get3A_281 = arith.index_cast %mul3A_127 : i32 to index
      %get3A_282 = tpu.vector_load %arg6[%get3A_280, %get3A_281] {strides = array<i32>} : memref<16x1024xf32, #tpu.memory_space<vmem>>, vector<1x16xf32>,
      %get3A_283 = vector.shape_cast %get3A_282 : vector<1x16xf32> to vector<16xf32>
      %get3A_284 = arith.constant 9 : i32
      %get3A_285 = arith.index_cast %get3A_284 : i32 to index
      %get3A_286 = arith.index_cast %mul3A_127 : i32 to index
      %get3A_287 = tpu.vector_load %arg7[%get3A_285, %get3A_286] {strides = array<i32>} : memref<16x1024xf32, #tpu.memory_space<vmem>>, vector<1x16xf32>,
      %get3A_288 = vector.shape_cast %get3A_287 : vector<1x16xf32> to vector<16xf32>
      %add3A_289 = arith.addf %get3A_283, %get3A_288 : vector<16xf32>
      %swap3A_290 = arith.constant 9 : i32
      %swap3A_291 = arith.index_cast %swap3A_290 : i32 to index
      %swap3A_292 = arith.index_cast %mul3A_127 : i32 to index
      %swap3A_293 = tpu.vector_load %arg6[%swap3A_291, %swap3A_292] {strides = array<i32>} : memref<16x1024xf32, #tpu.memory_space<vmem>>, vector<1x16xf32>,
      %swap3A_294 = vector.shape_cast %swap3A_293 : vector<1x16xf32> to vector<16xf32>
      %swap3A_295 = vector.shape_cast %add3A_289 : vector<16xf32> to vector<1x16xf32>
      tpu.vector_store %arg6[%swap3A_291, %swap3A_292], %swap3A_295 {strides = array<i32>} : memref<16x1024xf32, #tpu.memory_space<vmem>>, vector<1x16xf32>,
      %get3A_296 = arith.constant 10 : i32
      %get3A_297 = arith.index_cast %get3A_296 : i32 to index
      %get3A_298 = arith.index_cast %mul3A_127 : i32 to index
      %get3A_299 = tpu.vector_load %arg6[%get3A_297, %get3A_298] {strides = array<i32>} : memref<16x1024xf32, #tpu.memory_space<vmem>>, vector<1x16xf32>,
      %get3A_300 = vector.shape_cast %get3A_299 : vector<1x16xf32> to vector<16xf32>
      %get3A_301 = arith.constant 10 : i32
      %get3A_302 = arith.index_cast %get3A_301 : i32 to index
      %get3A_303 = arith.index_cast %mul3A_127 : i32 to index
      %get3A_304 = tpu.vector_load %arg7[%get3A_302, %get3A_303] {strides = array<i32>} : memref<16x1024xf32, #tpu.memory_space<vmem>>, vector<1x16xf32>,
      %get3A_305 = vector.shape_cast %get3A_304 : vector<1x16xf32> to vector<16xf32>
      %add3A_306 = arith.addf %get3A_300, %get3A_305 : vector<16xf32>
      %swap3A_307 = arith.constant 10 : i32
      %swap3A_308 = arith.index_cast %swap3A_307 : i32 to index
      %swap3A_309 = arith.index_cast %mul3A_127 : i32 to index
      %swap3A_310 = tpu.vector_load %arg6[%swap3A_308, %swap3A_309] {strides = array<i32>} : memref<16x1024xf32, #tpu.memory_space<vmem>>, vector<1x16xf32>,
      %swap3A_311 = vector.shape_cast %swap3A_310 : vector<1x16xf32> to vector<16xf32>
      %swap3A_312 = vector.shape_cast %add3A_306 : vector<16xf32> to vector<1x16xf32>
      tpu.vector_store %arg6[%swap3A_308, %swap3A_309], %swap3A_312 {strides = array<i32>} : memref<16x1024xf32, #tpu.memory_space<vmem>>, vector<1x16xf32>,
      %get3A_313 = arith.constant 11 : i32
      %get3A_314 = arith.index_cast %get3A_313 : i32 to index
      %get3A_315 = arith.index_cast %mul3A_127 : i32 to index
      %get3A_316 = tpu.vector_load %arg6[%get3A_314, %get3A_315] {strides = array<i32>} : memref<16x1024xf32, #tpu.memory_space<vmem>>, vector<1x16xf32>,
      %get3A_317 = vector.shape_cast %get3A_316 : vector<1x16xf32> to vector<16xf32>
      %get3A_318 = arith.constant 11 : i32
      %get3A_319 = arith.index_cast %get3A_318 : i32 to index
      %get3A_320 = arith.index_cast %mul3A_127 : i32 to index
      %get3A_321 = tpu.vector_load %arg7[%get3A_319, %get3A_320] {strides = array<i32>} : memref<16x1024xf32, #tpu.memory_space<vmem>>, vector<1x16xf32>,
      %get3A_322 = vector.shape_cast %get3A_321 : vector<1x16xf32> to vector<16xf32>
      %add3A_323 = arith.addf %get3A_317, %get3A_322 : vector<16xf32>
      %swap3A_324 = arith.constant 11 : i32
      %swap3A_325 = arith.index_cast %swap3A_324 : i32 to index
      %swap3A_326 = arith.index_cast %mul3A_127 : i32 to index
      %swap3A_327 = tpu.vector_load %arg6[%swap3A_325, %swap3A_326] {strides = array<i32>} : memref<16x1024xf32, #tpu.memory_space<vmem>>, vector<1x16xf32>,
      %swap3A_328 = vector.shape_cast %swap3A_327 : vector<1x16xf32> to vector<16xf32>
      %swap3A_329 = vector.shape_cast %add3A_323 : vector<16xf32> to vector<1x16xf32>
      tpu.vector_store %arg6[%swap3A_325, %swap3A_326], %swap3A_329 {strides = array<i32>} : memref<16x1024xf32, #tpu.memory_space<vmem>>, vector<1x16xf32>,
      %get3A_330 = arith.constant 12 : i32
      %get3A_331 = arith.index_cast %get3A_330 : i32 to index
      %get3A_332 = arith.index_cast %mul3A_127 : i32 to index
      %get3A_333 = tpu.vector_load %arg6[%get3A_331, %get3A_332] {strides = array<i32>} : memref<16x1024xf32, #tpu.memory_space<vmem>>, vector<1x16xf32>,
      %get3A_334 = vector.shape_cast %get3A_333 : vector<1x16xf32> to vector<16xf32>
      %get3A_335 = arith.constant 12 : i32
      %get3A_336 = arith.index_cast %get3A_335 : i32 to index
      %get3A_337 = arith.index_cast %mul3A_127 : i32 to index
      %get3A_338 = tpu.vector_load %arg7[%get3A_336, %get3A_337] {strides = array<i32>} : memref<16x1024xf32, #tpu.memory_space<vmem>>, vector<1x16xf32>,
      %get3A_339 = vector.shape_cast %get3A_338 : vector<1x16xf32> to vector<16xf32>
      %add3A_340 = arith.addf %get3A_334, %get3A_339 : vector<16xf32>
      %swap3A_341 = arith.constant 12 : i32
      %swap3A_342 = arith.index_cast %swap3A_341 : i32 to index
      %swap3A_343 = arith.index_cast %mul3A_127 : i32 to index
      %swap3A_344 = tpu.vector_load %arg6[%swap3A_342, %swap3A_343] {strides = array<i32>} : memref<16x1024xf32, #tpu.memory_space<vmem>>, vector<1x16xf32>,
      %swap3A_345 = vector.shape_cast %swap3A_344 : vector<1x16xf32> to vector<16xf32>
      %swap3A_346 = vector.shape_cast %add3A_340 : vector<16xf32> to vector<1x16xf32>
      tpu.vector_store %arg6[%swap3A_342, %swap3A_343], %swap3A_346 {strides = array<i32>} : memref<16x1024xf32, #tpu.memory_space<vmem>>, vector<1x16xf32>,
      %get3A_347 = arith.constant 13 : i32
      %get3A_348 = arith.index_cast %get3A_347 : i32 to index
      %get3A_349 = arith.index_cast %mul3A_127 : i32 to index
      %get3A_350 = tpu.vector_load %arg6[%get3A_348, %get3A_349] {strides = array<i32>} : memref<16x1024xf32, #tpu.memory_space<vmem>>, vector<1x16xf32>,
      %get3A_351 = vector.shape_cast %get3A_350 : vector<1x16xf32> to vector<16xf32>
      %get3A_352 = arith.constant 13 : i32
      %get3A_353 = arith.index_cast %get3A_352 : i32 to index
      %get3A_354 = arith.index_cast %mul3A_127 : i32 to index
      %get3A_355 = tpu.vector_load %arg7[%get3A_353, %get3A_354] {strides = array<i32>} : memref<16x1024xf32, #tpu.memory_space<vmem>>, vector<1x16xf32>,
      %get3A_356 = vector.shape_cast %get3A_355 : vector<1x16xf32> to vector<16xf32>
      %add3A_357 = arith.addf %get3A_351, %get3A_356 : vector<16xf32>
      %swap3A_358 = arith.constant 13 : i32
      %swap3A_359 = arith.index_cast %swap3A_358 : i32 to index
      %swap3A_360 = arith.index_cast %mul3A_127 : i32 to index
      %swap3A_361 = tpu.vector_load %arg6[%swap3A_359, %swap3A_360] {strides = array<i32>} : memref<16x1024xf32, #tpu.memory_space<vmem>>, vector<1x16xf32>,
      %swap3A_362 = vector.shape_cast %swap3A_361 : vector<1x16xf32> to vector<16xf32>
      %swap3A_363 = vector.shape_cast %add3A_357 : vector<16xf32> to vector<1x16xf32>
      tpu.vector_store %arg6[%swap3A_359, %swap3A_360], %swap3A_363 {strides = array<i32>} : memref<16x1024xf32, #tpu.memory_space<vmem>>, vector<1x16xf32>,
      %get3A_364 = arith.constant 14 : i32
      %get3A_365 = arith.index_cast %get3A_364 : i32 to index
      %get3A_366 = arith.index_cast %mul3A_127 : i32 to index
      %get3A_367 = tpu.vector_load %arg6[%get3A_365, %get3A_366] {strides = array<i32>} : memref<16x1024xf32, #tpu.memory_space<vmem>>, vector<1x16xf32>,
      %get3A_368 = vector.shape_cast %get3A_367 : vector<1x16xf32> to vector<16xf32>
      %get3A_369 = arith.constant 14 : i32
      %get3A_370 = arith.index_cast %get3A_369 : i32 to index
      %get3A_371 = arith.index_cast %mul3A_127 : i32 to index
      %get3A_372 = tpu.vector_load %arg7[%get3A_370, %get3A_371] {strides = array<i32>} : memref<16x1024xf32, #tpu.memory_space<vmem>>, vector<1x16xf32>,
      %get3A_373 = vector.shape_cast %get3A_372 : vector<1x16xf32> to vector<16xf32>
      %add3A_374 = arith.addf %get3A_368, %get3A_373 : vector<16xf32>
      %swap3A_375 = arith.constant 14 : i32
      %swap3A_376 = arith.index_cast %swap3A_375 : i32 to index
      %swap3A_377 = arith.index_cast %mul3A_127 : i32 to index
      %swap3A_378 = tpu.vector_load %arg6[%swap3A_376, %swap3A_377] {strides = array<i32>} : memref<16x1024xf32, #tpu.memory_space<vmem>>, vector<1x16xf32>,
      %swap3A_379 = vector.shape_cast %swap3A_378 : vector<1x16xf32> to vector<16xf32>
      %swap3A_380 = vector.shape_cast %add3A_374 : vector<16xf32> to vector<1x16xf32>
      tpu.vector_store %arg6[%swap3A_376, %swap3A_377], %swap3A_380 {strides = array<i32>} : memref<16x1024xf32, #tpu.memory_space<vmem>>, vector<1x16xf32>,
      %get3A_381 = arith.constant 15 : i32
      %get3A_382 = arith.index_cast %get3A_381 : i32 to index
      %get3A_383 = arith.index_cast %mul3A_127 : i32 to index
      %get3A_384 = tpu.vector_load %arg6[%get3A_382, %get3A_383] {strides = array<i32>} : memref<16x1024xf32, #tpu.memory_space<vmem>>, vector<1x16xf32>,
      %get3A_385 = vector.shape_cast %get3A_384 : vector<1x16xf32> to vector<16xf32>
      %get3A_386 = arith.constant 15 : i32
      %get3A_387 = arith.index_cast %get3A_386 : i32 to index
      %get3A_388 = arith.index_cast %mul3A_127 : i32 to index
      %get3A_389 = tpu.vector_load %arg7[%get3A_387, %get3A_388] {strides = array<i32>} : memref<16x1024xf32, #tpu.memory_space<vmem>>, vector<1x16xf32>,
      %get3A_390 = vector.shape_cast %get3A_389 : vector<1x16xf32> to vector<16xf32>
      %add3A_391 = arith.addf %get3A_385, %get3A_390 : vector<16xf32>
      %swap3A_392 = arith.constant 15 : i32
      %swap3A_393 = arith.index_cast %swap3A_392 : i32 to index
      %swap3A_394 = arith.index_cast %mul3A_127 : i32 to index
      %swap3A_395 = tpu.vector_load %arg6[%swap3A_393, %swap3A_394] {strides = array<i32>} : memref<16x1024xf32, #tpu.memory_space<vmem>>, vector<1x16xf32>,
      %swap3A_396 = vector.shape_cast %swap3A_395 : vector<1x16xf32> to vector<16xf32>
      %swap3A_397 = vector.shape_cast %add3A_391 : vector<16xf32> to vector<1x16xf32>
      tpu.vector_store %arg6[%swap3A_393, %swap3A_394], %swap3A_397 {strides = array<i32>} : memref<16x1024xf32, #tpu.memory_space<vmem>>, vector<1x16xf32>,
      %scan3A_398 = arith.constant 0 : i32
      scf.yield %scan3A_398 : i32
    }
    %scan3A_57 = arith.constant 64 : i32
    %add3A_58 = arith.constant 16 : i32
    %add3A_59 = arith.addi %mul3A_2, %add3A_58 : i32
    %dma_start3A_60 = arith.constant 0 : i32
    %dma_start3A_61 = tpu.memref_slice %arg4[%add3A_59, %dma_start3A_60] : memref<2048x1024xf32, #tpu.memory_space<hbm>> -> memref<16x1024xf32, #tpu.memory_space<hbm>>
    %dma_start3A_62 = arith.constant 0 : i32
    %dma_start3A_63 = tpu.memref_slice %arg4[%add3A_59, %dma_start3A_62] : memref<2048x1024xf32, #tpu.memory_space<hbm>> -> memref<16x1024xf32, #tpu.memory_space<hbm>>
    tpu.enqueue_dma source(%arg6 : memref<16x1024xf32, #tpu.memory_space<vmem>>) target(%dma_start3A_63 : memref<16x1024xf32, #tpu.memory_space<hbm>>) target_semaphore(%arg11 : memref<!tpu.dma_semaphore, #tpu.memory_space<semaphore_mem>>)
    %add3A_64 = arith.constant 32 : i32
    %add3A_65 = arith.addi %mul3A_2, %add3A_64 : i32
    "tpu.region"() ({
      %run_scoped3A = tpu.sem_alloc : memref<!tpu.dma_semaphore, #tpu.memory_space<semaphore_mem>>
      %dma_start3A_124 = arith.constant 0 : i32
      %dma_start3A_125 = tpu.memref_slice %arg3[%add3A_65, %dma_start3A_124] : memref<2048x1024xf32, #tpu.memory_space<hbm>> -> memref<16x1024xf32, #tpu.memory_space<hbm>>
      %dma_start3A_126 = arith.constant 0 : i32
      %dma_start3A_127 = tpu.memref_slice %arg3[%add3A_65, %dma_start3A_126] : memref<2048x1024xf32, #tpu.memory_space<hbm>> -> memref<16x1024xf32, #tpu.memory_space<hbm>>
      tpu.enqueue_dma source(%dma_start3A_127 : memref<16x1024xf32, #tpu.memory_space<hbm>>) target(%arg7 : memref<16x1024xf32, #tpu.memory_space<vmem>>) target_semaphore(%run_scoped3A : memref<!tpu.dma_semaphore, #tpu.memory_space<semaphore_mem>>)
      %dma_wait3A_128 = arith.constant 0 : i32
      %dma_wait3A_129 = tpu.memref_slice %arg3[%add3A_65, %dma_wait3A_128] : memref<2048x1024xf32, #tpu.memory_space<hbm>> -> memref<16x1024xf32, #tpu.memory_space<hbm>>
      %dma_wait3A_130 = arith.constant 0 : i32
      %dma_wait3A_131 = tpu.memref_slice %arg3[%add3A_65, %dma_wait3A_130] : memref<2048x1024xf32, #tpu.memory_space<hbm>> -> memref<16x1024xf32, #tpu.memory_space<hbm>>
      tpu.wait_dma2 semaphore(%run_scoped3A : memref<!tpu.dma_semaphore, #tpu.memory_space<semaphore_mem>>) src(%dma_wait3A_131 : memref<16x1024xf32, #tpu.memory_space<hbm>>) dst(%arg7 : memref<16x1024xf32, #tpu.memory_space<vmem>>)
      tpu.yield
    }) : () -> ()
    %dma_wait3A_66 = arith.constant 0 : i32
    %dma_wait3A_67 = tpu.memref_slice %arg4[%add3A_59, %dma_wait3A_66] : memref<2048x1024xf32, #tpu.memory_space<hbm>> -> memref<16x1024xf32, #tpu.memory_space<hbm>>
    %dma_wait3A_68 = arith.constant 0 : i32
    %dma_wait3A_69 = tpu.memref_slice %arg4[%add3A_59, %dma_wait3A_68] : memref<2048x1024xf32, #tpu.memory_space<hbm>> -> memref<16x1024xf32, #tpu.memory_space<hbm>>
    tpu.wait_dma2 semaphore(%arg11 : memref<!tpu.dma_semaphore, #tpu.memory_space<semaphore_mem>>) src(%arg6 : memref<16x1024xf32, #tpu.memory_space<vmem>>) dst(%dma_wait3A_69 : memref<16x1024xf32, #tpu.memory_space<hbm>>)
    %add3A_70 = arith.constant 48 : i32
    %add3A_71 = arith.addi %mul3A_2, %add3A_70 : i32
    %dma_start3A_72 = arith.constant 0 : i32
    %dma_start3A_73 = tpu.memref_slice %arg2[%add3A_71, %dma_start3A_72] : memref<2048x1024xf32, #tpu.memory_space<hbm>> -> memref<16x1024xf32, #tpu.memory_space<hbm>>
    %dma_start3A_74 = arith.constant 0 : i32
    %dma_start3A_75 = tpu.memref_slice %arg2[%add3A_71, %dma_start3A_74] : memref<2048x1024xf32, #tpu.memory_space<hbm>> -> memref<16x1024xf32, #tpu.memory_space<hbm>>
    tpu.enqueue_dma source(%dma_start3A_75 : memref<16x1024xf32, #tpu.memory_space<hbm>>) target(%arg6 : memref<16x1024xf32, #tpu.memory_space<vmem>>) target_semaphore(%arg9 : memref<!tpu.dma_semaphore, #tpu.memory_space<semaphore_mem>>)
    %add3A_76 = arith.constant 32 : i32
    %add3A_77 = arith.addi %mul3A_2, %add3A_76 : i32
    %dma_wait3A_78 = arith.constant 0 : i32
    %dma_wait3A_79 = tpu.memref_slice %arg2[%add3A_77, %dma_wait3A_78] : memref<2048x1024xf32, #tpu.memory_space<hbm>> -> memref<16x1024xf32, #tpu.memory_space<hbm>>
    %dma_wait3A_80 = arith.constant 0 : i32
    %dma_wait3A_81 = tpu.memref_slice %arg2[%add3A_77, %dma_wait3A_80] : memref<2048x1024xf32, #tpu.memory_space<hbm>> -> memref<16x1024xf32, #tpu.memory_space<hbm>>
    tpu.wait_dma2 semaphore(%arg8 : memref<!tpu.dma_semaphore, #tpu.memory_space<semaphore_mem>>) src(%dma_wait3A_81 : memref<16x1024xf32, #tpu.memory_space<hbm>>) dst(%arg5 : memref<16x1024xf32, #tpu.memory_space<vmem>>)
    %scan3A_82 = arith.constant 0 : i32
    %scan3A_83 = arith.constant 0 : i32
    %scan3A_84 = arith.constant 64 : i32
    %scan3A_85 = arith.addi %scan3A_83, %scan3A_84 : i32
    %scan3A_86 = arith.constant 1 : i32
    %scan3A_87 = scf.for %scan3A_124 = %scan3A_83 to %scan3A_85 step %scan3A_86 iter_args(%scan3A_125 = %scan3A_82) -> (i32)  : i32 {
      %mul3A_126 = arith.constant 16 : i32
      %mul3A_127 = arith.muli %scan3A_124, %mul3A_126 : i32
      %get3A = arith.constant 0 : i32
      %get3A_128 = arith.index_cast %get3A : i32 to index
      %get3A_129 = arith.index_cast %mul3A_127 : i32 to index
      %get3A_130 = tpu.vector_load %arg5[%get3A_128, %get3A_129] {strides = array<i32>} : memref<16x1024xf32, #tpu.memory_space<vmem>>, vector<1x16xf32>,
      %get3A_131 = vector.shape_cast %get3A_130 : vector<1x16xf32> to vector<16xf32>
      %get3A_132 = arith.constant 0 : i32
      %get3A_133 = arith.index_cast %get3A_132 : i32 to index
      %get3A_134 = arith.index_cast %mul3A_127 : i32 to index
      %get3A_135 = tpu.vector_load %arg7[%get3A_133, %get3A_134] {strides = array<i32>} : memref<16x1024xf32, #tpu.memory_space<vmem>>, vector<1x16xf32>,
      %get3A_136 = vector.shape_cast %get3A_135 : vector<1x16xf32> to vector<16xf32>
      %add3A_137 = arith.addf %get3A_131, %get3A_136 : vector<16xf32>
      %swap3A = arith.constant 0 : i32
      %swap3A_138 = arith.index_cast %swap3A : i32 to index
      %swap3A_139 = arith.index_cast %mul3A_127 : i32 to index
      %swap3A_140 = tpu.vector_load %arg5[%swap3A_138, %swap3A_139] {strides = array<i32>} : memref<16x1024xf32, #tpu.memory_space<vmem>>, vector<1x16xf32>,
      %swap3A_141 = vector.shape_cast %swap3A_140 : vector<1x16xf32> to vector<16xf32>
      %swap3A_142 = vector.shape_cast %add3A_137 : vector<16xf32> to vector<1x16xf32>
      tpu.vector_store %arg5[%swap3A_138, %swap3A_139], %swap3A_142 {strides = array<i32>} : memref<16x1024xf32, #tpu.memory_space<vmem>>, vector<1x16xf32>,
      %get3A_143 = arith.constant 1 : i32
      %get3A_144 = arith.index_cast %get3A_143 : i32 to index
      %get3A_145 = arith.index_cast %mul3A_127 : i32 to index
      %get3A_146 = tpu.vector_load %arg5[%get3A_144, %get3A_145] {strides = array<i32>} : memref<16x1024xf32, #tpu.memory_space<vmem>>, vector<1x16xf32>,
      %get3A_147 = vector.shape_cast %get3A_146 : vector<1x16xf32> to vector<16xf32>
      %get3A_148 = arith.constant 1 : i32
      %get3A_149 = arith.index_cast %get3A_148 : i32 to index
      %get3A_150 = arith.index_cast %mul3A_127 : i32 to index
      %get3A_151 = tpu.vector_load %arg7[%get3A_149, %get3A_150] {strides = array<i32>} : memref<16x1024xf32, #tpu.memory_space<vmem>>, vector<1x16xf32>,
      %get3A_152 = vector.shape_cast %get3A_151 : vector<1x16xf32> to vector<16xf32>
      %add3A_153 = arith.addf %get3A_147, %get3A_152 : vector<16xf32>
      %swap3A_154 = arith.constant 1 : i32
      %swap3A_155 = arith.index_cast %swap3A_154 : i32 to index
      %swap3A_156 = arith.index_cast %mul3A_127 : i32 to index
      %swap3A_157 = tpu.vector_load %arg5[%swap3A_155, %swap3A_156] {strides = array<i32>} : memref<16x1024xf32, #tpu.memory_space<vmem>>, vector<1x16xf32>,
      %swap3A_158 = vector.shape_cast %swap3A_157 : vector<1x16xf32> to vector<16xf32>
      %swap3A_159 = vector.shape_cast %add3A_153 : vector<16xf32> to vector<1x16xf32>
      tpu.vector_store %arg5[%swap3A_155, %swap3A_156], %swap3A_159 {strides = array<i32>} : memref<16x1024xf32, #tpu.memory_space<vmem>>, vector<1x16xf32>,
      %get3A_160 = arith.constant 2 : i32
      %get3A_161 = arith.index_cast %get3A_160 : i32 to index
      %get3A_162 = arith.index_cast %mul3A_127 : i32 to index
      %get3A_163 = tpu.vector_load %arg5[%get3A_161, %get3A_162] {strides = array<i32>} : memref<16x1024xf32, #tpu.memory_space<vmem>>, vector<1x16xf32>,
      %get3A_164 = vector.shape_cast %get3A_163 : vector<1x16xf32> to vector<16xf32>
      %get3A_165 = arith.constant 2 : i32
      %get3A_166 = arith.index_cast %get3A_165 : i32 to index
      %get3A_167 = arith.index_cast %mul3A_127 : i32 to index
      %get3A_168 = tpu.vector_load %arg7[%get3A_166, %get3A_167] {strides = array<i32>} : memref<16x1024xf32, #tpu.memory_space<vmem>>, vector<1x16xf32>,
      %get3A_169 = vector.shape_cast %get3A_168 : vector<1x16xf32> to vector<16xf32>
      %add3A_170 = arith.addf %get3A_164, %get3A_169 : vector<16xf32>
      %swap3A_171 = arith.constant 2 : i32
      %swap3A_172 = arith.index_cast %swap3A_171 : i32 to index
      %swap3A_173 = arith.index_cast %mul3A_127 : i32 to index
      %swap3A_174 = tpu.vector_load %arg5[%swap3A_172, %swap3A_173] {strides = array<i32>} : memref<16x1024xf32, #tpu.memory_space<vmem>>, vector<1x16xf32>,
      %swap3A_175 = vector.shape_cast %swap3A_174 : vector<1x16xf32> to vector<16xf32>
      %swap3A_176 = vector.shape_cast %add3A_170 : vector<16xf32> to vector<1x16xf32>
      tpu.vector_store %arg5[%swap3A_172, %swap3A_173], %swap3A_176 {strides = array<i32>} : memref<16x1024xf32, #tpu.memory_space<vmem>>, vector<1x16xf32>,
      %get3A_177 = arith.constant 3 : i32
      %get3A_178 = arith.index_cast %get3A_177 : i32 to index
      %get3A_179 = arith.index_cast %mul3A_127 : i32 to index
      %get3A_180 = tpu.vector_load %arg5[%get3A_178, %get3A_179] {strides = array<i32>} : memref<16x1024xf32, #tpu.memory_space<vmem>>, vector<1x16xf32>,
      %get3A_181 = vector.shape_cast %get3A_180 : vector<1x16xf32> to vector<16xf32>
      %get3A_182 = arith.constant 3 : i32
      %get3A_183 = arith.index_cast %get3A_182 : i32 to index
      %get3A_184 = arith.index_cast %mul3A_127 : i32 to index
      %get3A_185 = tpu.vector_load %arg7[%get3A_183, %get3A_184] {strides = array<i32>} : memref<16x1024xf32, #tpu.memory_space<vmem>>, vector<1x16xf32>,
      %get3A_186 = vector.shape_cast %get3A_185 : vector<1x16xf32> to vector<16xf32>
      %add3A_187 = arith.addf %get3A_181, %get3A_186 : vector<16xf32>
      %swap3A_188 = arith.constant 3 : i32
      %swap3A_189 = arith.index_cast %swap3A_188 : i32 to index
      %swap3A_190 = arith.index_cast %mul3A_127 : i32 to index
      %swap3A_191 = tpu.vector_load %arg5[%swap3A_189, %swap3A_190] {strides = array<i32>} : memref<16x1024xf32, #tpu.memory_space<vmem>>, vector<1x16xf32>,
      %swap3A_192 = vector.shape_cast %swap3A_191 : vector<1x16xf32> to vector<16xf32>
      %swap3A_193 = vector.shape_cast %add3A_187 : vector<16xf32> to vector<1x16xf32>
      tpu.vector_store %arg5[%swap3A_189, %swap3A_190], %swap3A_193 {strides = array<i32>} : memref<16x1024xf32, #tpu.memory_space<vmem>>, vector<1x16xf32>,
      %get3A_194 = arith.constant 4 : i32
      %get3A_195 = arith.index_cast %get3A_194 : i32 to index
      %get3A_196 = arith.index_cast %mul3A_127 : i32 to index
      %get3A_197 = tpu.vector_load %arg5[%get3A_195, %get3A_196] {strides = array<i32>} : memref<16x1024xf32, #tpu.memory_space<vmem>>, vector<1x16xf32>,
      %get3A_198 = vector.shape_cast %get3A_197 : vector<1x16xf32> to vector<16xf32>
      %get3A_199 = arith.constant 4 : i32
      %get3A_200 = arith.index_cast %get3A_199 : i32 to index
      %get3A_201 = arith.index_cast %mul3A_127 : i32 to index
      %get3A_202 = tpu.vector_load %arg7[%get3A_200, %get3A_201] {strides = array<i32>} : memref<16x1024xf32, #tpu.memory_space<vmem>>, vector<1x16xf32>,
      %get3A_203 = vector.shape_cast %get3A_202 : vector<1x16xf32> to vector<16xf32>
      %add3A_204 = arith.addf %get3A_198, %get3A_203 : vector<16xf32>
      %swap3A_205 = arith.constant 4 : i32
      %swap3A_206 = arith.index_cast %swap3A_205 : i32 to index
      %swap3A_207 = arith.index_cast %mul3A_127 : i32 to index
      %swap3A_208 = tpu.vector_load %arg5[%swap3A_206, %swap3A_207] {strides = array<i32>} : memref<16x1024xf32, #tpu.memory_space<vmem>>, vector<1x16xf32>,
      %swap3A_209 = vector.shape_cast %swap3A_208 : vector<1x16xf32> to vector<16xf32>
      %swap3A_210 = vector.shape_cast %add3A_204 : vector<16xf32> to vector<1x16xf32>
      tpu.vector_store %arg5[%swap3A_206, %swap3A_207], %swap3A_210 {strides = array<i32>} : memref<16x1024xf32, #tpu.memory_space<vmem>>, vector<1x16xf32>,
      %get3A_211 = arith.constant 5 : i32
      %get3A_212 = arith.index_cast %get3A_211 : i32 to index
      %get3A_213 = arith.index_cast %mul3A_127 : i32 to index
      %get3A_214 = tpu.vector_load %arg5[%get3A_212, %get3A_213] {strides = array<i32>} : memref<16x1024xf32, #tpu.memory_space<vmem>>, vector<1x16xf32>,
      %get3A_215 = vector.shape_cast %get3A_214 : vector<1x16xf32> to vector<16xf32>
      %get3A_216 = arith.constant 5 : i32
      %get3A_217 = arith.index_cast %get3A_216 : i32 to index
      %get3A_218 = arith.index_cast %mul3A_127 : i32 to index
      %get3A_219 = tpu.vector_load %arg7[%get3A_217, %get3A_218] {strides = array<i32>} : memref<16x1024xf32, #tpu.memory_space<vmem>>, vector<1x16xf32>,
      %get3A_220 = vector.shape_cast %get3A_219 : vector<1x16xf32> to vector<16xf32>
      %add3A_221 = arith.addf %get3A_215, %get3A_220 : vector<16xf32>
      %swap3A_222 = arith.constant 5 : i32
      %swap3A_223 = arith.index_cast %swap3A_222 : i32 to index
      %swap3A_224 = arith.index_cast %mul3A_127 : i32 to index
      %swap3A_225 = tpu.vector_load %arg5[%swap3A_223, %swap3A_224] {strides = array<i32>} : memref<16x1024xf32, #tpu.memory_space<vmem>>, vector<1x16xf32>,
      %swap3A_226 = vector.shape_cast %swap3A_225 : vector<1x16xf32> to vector<16xf32>
      %swap3A_227 = vector.shape_cast %add3A_221 : vector<16xf32> to vector<1x16xf32>
      tpu.vector_store %arg5[%swap3A_223, %swap3A_224], %swap3A_227 {strides = array<i32>} : memref<16x1024xf32, #tpu.memory_space<vmem>>, vector<1x16xf32>,
      %get3A_228 = arith.constant 6 : i32
      %get3A_229 = arith.index_cast %get3A_228 : i32 to index
      %get3A_230 = arith.index_cast %mul3A_127 : i32 to index
      %get3A_231 = tpu.vector_load %arg5[%get3A_229, %get3A_230] {strides = array<i32>} : memref<16x1024xf32, #tpu.memory_space<vmem>>, vector<1x16xf32>,
      %get3A_232 = vector.shape_cast %get3A_231 : vector<1x16xf32> to vector<16xf32>
      %get3A_233 = arith.constant 6 : i32
      %get3A_234 = arith.index_cast %get3A_233 : i32 to index
      %get3A_235 = arith.index_cast %mul3A_127 : i32 to index
      %get3A_236 = tpu.vector_load %arg7[%get3A_234, %get3A_235] {strides = array<i32>} : memref<16x1024xf32, #tpu.memory_space<vmem>>, vector<1x16xf32>,
      %get3A_237 = vector.shape_cast %get3A_236 : vector<1x16xf32> to vector<16xf32>
      %add3A_238 = arith.addf %get3A_232, %get3A_237 : vector<16xf32>
      %swap3A_239 = arith.constant 6 : i32
      %swap3A_240 = arith.index_cast %swap3A_239 : i32 to index
      %swap3A_241 = arith.index_cast %mul3A_127 : i32 to index
      %swap3A_242 = tpu.vector_load %arg5[%swap3A_240, %swap3A_241] {strides = array<i32>} : memref<16x1024xf32, #tpu.memory_space<vmem>>, vector<1x16xf32>,
      %swap3A_243 = vector.shape_cast %swap3A_242 : vector<1x16xf32> to vector<16xf32>
      %swap3A_244 = vector.shape_cast %add3A_238 : vector<16xf32> to vector<1x16xf32>
      tpu.vector_store %arg5[%swap3A_240, %swap3A_241], %swap3A_244 {strides = array<i32>} : memref<16x1024xf32, #tpu.memory_space<vmem>>, vector<1x16xf32>,
      %get3A_245 = arith.constant 7 : i32
      %get3A_246 = arith.index_cast %get3A_245 : i32 to index
      %get3A_247 = arith.index_cast %mul3A_127 : i32 to index
      %get3A_248 = tpu.vector_load %arg5[%get3A_246, %get3A_247] {strides = array<i32>} : memref<16x1024xf32, #tpu.memory_space<vmem>>, vector<1x16xf32>,
      %get3A_249 = vector.shape_cast %get3A_248 : vector<1x16xf32> to vector<16xf32>
      %get3A_250 = arith.constant 7 : i32
      %get3A_251 = arith.index_cast %get3A_250 : i32 to index
      %get3A_252 = arith.index_cast %mul3A_127 : i32 to index
      %get3A_253 = tpu.vector_load %arg7[%get3A_251, %get3A_252] {strides = array<i32>} : memref<16x1024xf32, #tpu.memory_space<vmem>>, vector<1x16xf32>,
      %get3A_254 = vector.shape_cast %get3A_253 : vector<1x16xf32> to vector<16xf32>
      %add3A_255 = arith.addf %get3A_249, %get3A_254 : vector<16xf32>
      %swap3A_256 = arith.constant 7 : i32
      %swap3A_257 = arith.index_cast %swap3A_256 : i32 to index
      %swap3A_258 = arith.index_cast %mul3A_127 : i32 to index
      %swap3A_259 = tpu.vector_load %arg5[%swap3A_257, %swap3A_258] {strides = array<i32>} : memref<16x1024xf32, #tpu.memory_space<vmem>>, vector<1x16xf32>,
      %swap3A_260 = vector.shape_cast %swap3A_259 : vector<1x16xf32> to vector<16xf32>
      %swap3A_261 = vector.shape_cast %add3A_255 : vector<16xf32> to vector<1x16xf32>
      tpu.vector_store %arg5[%swap3A_257, %swap3A_258], %swap3A_261 {strides = array<i32>} : memref<16x1024xf32, #tpu.memory_space<vmem>>, vector<1x16xf32>,
      %get3A_262 = arith.constant 8 : i32
      %get3A_263 = arith.index_cast %get3A_262 : i32 to index
      %get3A_264 = arith.index_cast %mul3A_127 : i32 to index
      %get3A_265 = tpu.vector_load %arg5[%get3A_263, %get3A_264] {strides = array<i32>} : memref<16x1024xf32, #tpu.memory_space<vmem>>, vector<1x16xf32>,
      %get3A_266 = vector.shape_cast %get3A_265 : vector<1x16xf32> to vector<16xf32>
      %get3A_267 = arith.constant 8 : i32
      %get3A_268 = arith.index_cast %get3A_267 : i32 to index
      %get3A_269 = arith.index_cast %mul3A_127 : i32 to index
      %get3A_270 = tpu.vector_load %arg7[%get3A_268, %get3A_269] {strides = array<i32>} : memref<16x1024xf32, #tpu.memory_space<vmem>>, vector<1x16xf32>,
      %get3A_271 = vector.shape_cast %get3A_270 : vector<1x16xf32> to vector<16xf32>
      %add3A_272 = arith.addf %get3A_266, %get3A_271 : vector<16xf32>
      %swap3A_273 = arith.constant 8 : i32
      %swap3A_274 = arith.index_cast %swap3A_273 : i32 to index
      %swap3A_275 = arith.index_cast %mul3A_127 : i32 to index
      %swap3A_276 = tpu.vector_load %arg5[%swap3A_274, %swap3A_275] {strides = array<i32>} : memref<16x1024xf32, #tpu.memory_space<vmem>>, vector<1x16xf32>,
      %swap3A_277 = vector.shape_cast %swap3A_276 : vector<1x16xf32> to vector<16xf32>
      %swap3A_278 = vector.shape_cast %add3A_272 : vector<16xf32> to vector<1x16xf32>
      tpu.vector_store %arg5[%swap3A_274, %swap3A_275], %swap3A_278 {strides = array<i32>} : memref<16x1024xf32, #tpu.memory_space<vmem>>, vector<1x16xf32>,
      %get3A_279 = arith.constant 9 : i32
      %get3A_280 = arith.index_cast %get3A_279 : i32 to index
      %get3A_281 = arith.index_cast %mul3A_127 : i32 to index
      %get3A_282 = tpu.vector_load %arg5[%get3A_280, %get3A_281] {strides = array<i32>} : memref<16x1024xf32, #tpu.memory_space<vmem>>, vector<1x16xf32>,
      %get3A_283 = vector.shape_cast %get3A_282 : vector<1x16xf32> to vector<16xf32>
      %get3A_284 = arith.constant 9 : i32
      %get3A_285 = arith.index_cast %get3A_284 : i32 to index
      %get3A_286 = arith.index_cast %mul3A_127 : i32 to index
      %get3A_287 = tpu.vector_load %arg7[%get3A_285, %get3A_286] {strides = array<i32>} : memref<16x1024xf32, #tpu.memory_space<vmem>>, vector<1x16xf32>,
      %get3A_288 = vector.shape_cast %get3A_287 : vector<1x16xf32> to vector<16xf32>
      %add3A_289 = arith.addf %get3A_283, %get3A_288 : vector<16xf32>
      %swap3A_290 = arith.constant 9 : i32
      %swap3A_291 = arith.index_cast %swap3A_290 : i32 to index
      %swap3A_292 = arith.index_cast %mul3A_127 : i32 to index
      %swap3A_293 = tpu.vector_load %arg5[%swap3A_291, %swap3A_292] {strides = array<i32>} : memref<16x1024xf32, #tpu.memory_space<vmem>>, vector<1x16xf32>,
      %swap3A_294 = vector.shape_cast %swap3A_293 : vector<1x16xf32> to vector<16xf32>
      %swap3A_295 = vector.shape_cast %add3A_289 : vector<16xf32> to vector<1x16xf32>
      tpu.vector_store %arg5[%swap3A_291, %swap3A_292], %swap3A_295 {strides = array<i32>} : memref<16x1024xf32, #tpu.memory_space<vmem>>, vector<1x16xf32>,
      %get3A_296 = arith.constant 10 : i32
      %get3A_297 = arith.index_cast %get3A_296 : i32 to index
      %get3A_298 = arith.index_cast %mul3A_127 : i32 to index
      %get3A_299 = tpu.vector_load %arg5[%get3A_297, %get3A_298] {strides = array<i32>} : memref<16x1024xf32, #tpu.memory_space<vmem>>, vector<1x16xf32>,
      %get3A_300 = vector.shape_cast %get3A_299 : vector<1x16xf32> to vector<16xf32>
      %get3A_301 = arith.constant 10 : i32
      %get3A_302 = arith.index_cast %get3A_301 : i32 to index
      %get3A_303 = arith.index_cast %mul3A_127 : i32 to index
      %get3A_304 = tpu.vector_load %arg7[%get3A_302, %get3A_303] {strides = array<i32>} : memref<16x1024xf32, #tpu.memory_space<vmem>>, vector<1x16xf32>,
      %get3A_305 = vector.shape_cast %get3A_304 : vector<1x16xf32> to vector<16xf32>
      %add3A_306 = arith.addf %get3A_300, %get3A_305 : vector<16xf32>
      %swap3A_307 = arith.constant 10 : i32
      %swap3A_308 = arith.index_cast %swap3A_307 : i32 to index
      %swap3A_309 = arith.index_cast %mul3A_127 : i32 to index
      %swap3A_310 = tpu.vector_load %arg5[%swap3A_308, %swap3A_309] {strides = array<i32>} : memref<16x1024xf32, #tpu.memory_space<vmem>>, vector<1x16xf32>,
      %swap3A_311 = vector.shape_cast %swap3A_310 : vector<1x16xf32> to vector<16xf32>
      %swap3A_312 = vector.shape_cast %add3A_306 : vector<16xf32> to vector<1x16xf32>
      tpu.vector_store %arg5[%swap3A_308, %swap3A_309], %swap3A_312 {strides = array<i32>} : memref<16x1024xf32, #tpu.memory_space<vmem>>, vector<1x16xf32>,
      %get3A_313 = arith.constant 11 : i32
      %get3A_314 = arith.index_cast %get3A_313 : i32 to index
      %get3A_315 = arith.index_cast %mul3A_127 : i32 to index
      %get3A_316 = tpu.vector_load %arg5[%get3A_314, %get3A_315] {strides = array<i32>} : memref<16x1024xf32, #tpu.memory_space<vmem>>, vector<1x16xf32>,
      %get3A_317 = vector.shape_cast %get3A_316 : vector<1x16xf32> to vector<16xf32>
      %get3A_318 = arith.constant 11 : i32
      %get3A_319 = arith.index_cast %get3A_318 : i32 to index
      %get3A_320 = arith.index_cast %mul3A_127 : i32 to index
      %get3A_321 = tpu.vector_load %arg7[%get3A_319, %get3A_320] {strides = array<i32>} : memref<16x1024xf32, #tpu.memory_space<vmem>>, vector<1x16xf32>,
      %get3A_322 = vector.shape_cast %get3A_321 : vector<1x16xf32> to vector<16xf32>
      %add3A_323 = arith.addf %get3A_317, %get3A_322 : vector<16xf32>
      %swap3A_324 = arith.constant 11 : i32
      %swap3A_325 = arith.index_cast %swap3A_324 : i32 to index
      %swap3A_326 = arith.index_cast %mul3A_127 : i32 to index
      %swap3A_327 = tpu.vector_load %arg5[%swap3A_325, %swap3A_326] {strides = array<i32>} : memref<16x1024xf32, #tpu.memory_space<vmem>>, vector<1x16xf32>,
      %swap3A_328 = vector.shape_cast %swap3A_327 : vector<1x16xf32> to vector<16xf32>
      %swap3A_329 = vector.shape_cast %add3A_323 : vector<16xf32> to vector<1x16xf32>
      tpu.vector_store %arg5[%swap3A_325, %swap3A_326], %swap3A_329 {strides = array<i32>} : memref<16x1024xf32, #tpu.memory_space<vmem>>, vector<1x16xf32>,
      %get3A_330 = arith.constant 12 : i32
      %get3A_331 = arith.index_cast %get3A_330 : i32 to index
      %get3A_332 = arith.index_cast %mul3A_127 : i32 to index
      %get3A_333 = tpu.vector_load %arg5[%get3A_331, %get3A_332] {strides = array<i32>} : memref<16x1024xf32, #tpu.memory_space<vmem>>, vector<1x16xf32>,
      %get3A_334 = vector.shape_cast %get3A_333 : vector<1x16xf32> to vector<16xf32>
      %get3A_335 = arith.constant 12 : i32
      %get3A_336 = arith.index_cast %get3A_335 : i32 to index
      %get3A_337 = arith.index_cast %mul3A_127 : i32 to index
      %get3A_338 = tpu.vector_load %arg7[%get3A_336, %get3A_337] {strides = array<i32>} : memref<16x1024xf32, #tpu.memory_space<vmem>>, vector<1x16xf32>,
      %get3A_339 = vector.shape_cast %get3A_338 : vector<1x16xf32> to vector<16xf32>
      %add3A_340 = arith.addf %get3A_334, %get3A_339 : vector<16xf32>
      %swap3A_341 = arith.constant 12 : i32
      %swap3A_342 = arith.index_cast %swap3A_341 : i32 to index
      %swap3A_343 = arith.index_cast %mul3A_127 : i32 to index
      %swap3A_344 = tpu.vector_load %arg5[%swap3A_342, %swap3A_343] {strides = array<i32>} : memref<16x1024xf32, #tpu.memory_space<vmem>>, vector<1x16xf32>,
      %swap3A_345 = vector.shape_cast %swap3A_344 : vector<1x16xf32> to vector<16xf32>
      %swap3A_346 = vector.shape_cast %add3A_340 : vector<16xf32> to vector<1x16xf32>
      tpu.vector_store %arg5[%swap3A_342, %swap3A_343], %swap3A_346 {strides = array<i32>} : memref<16x1024xf32, #tpu.memory_space<vmem>>, vector<1x16xf32>,
      %get3A_347 = arith.constant 13 : i32
      %get3A_348 = arith.index_cast %get3A_347 : i32 to index
      %get3A_349 = arith.index_cast %mul3A_127 : i32 to index
      %get3A_350 = tpu.vector_load %arg5[%get3A_348, %get3A_349] {strides = array<i32>} : memref<16x1024xf32, #tpu.memory_space<vmem>>, vector<1x16xf32>,
      %get3A_351 = vector.shape_cast %get3A_350 : vector<1x16xf32> to vector<16xf32>
      %get3A_352 = arith.constant 13 : i32
      %get3A_353 = arith.index_cast %get3A_352 : i32 to index
      %get3A_354 = arith.index_cast %mul3A_127 : i32 to index
      %get3A_355 = tpu.vector_load %arg7[%get3A_353, %get3A_354] {strides = array<i32>} : memref<16x1024xf32, #tpu.memory_space<vmem>>, vector<1x16xf32>,
      %get3A_356 = vector.shape_cast %get3A_355 : vector<1x16xf32> to vector<16xf32>
      %add3A_357 = arith.addf %get3A_351, %get3A_356 : vector<16xf32>
      %swap3A_358 = arith.constant 13 : i32
      %swap3A_359 = arith.index_cast %swap3A_358 : i32 to index
      %swap3A_360 = arith.index_cast %mul3A_127 : i32 to index
      %swap3A_361 = tpu.vector_load %arg5[%swap3A_359, %swap3A_360] {strides = array<i32>} : memref<16x1024xf32, #tpu.memory_space<vmem>>, vector<1x16xf32>,
      %swap3A_362 = vector.shape_cast %swap3A_361 : vector<1x16xf32> to vector<16xf32>
      %swap3A_363 = vector.shape_cast %add3A_357 : vector<16xf32> to vector<1x16xf32>
      tpu.vector_store %arg5[%swap3A_359, %swap3A_360], %swap3A_363 {strides = array<i32>} : memref<16x1024xf32, #tpu.memory_space<vmem>>, vector<1x16xf32>,
      %get3A_364 = arith.constant 14 : i32
      %get3A_365 = arith.index_cast %get3A_364 : i32 to index
      %get3A_366 = arith.index_cast %mul3A_127 : i32 to index
      %get3A_367 = tpu.vector_load %arg5[%get3A_365, %get3A_366] {strides = array<i32>} : memref<16x1024xf32, #tpu.memory_space<vmem>>, vector<1x16xf32>,
      %get3A_368 = vector.shape_cast %get3A_367 : vector<1x16xf32> to vector<16xf32>
      %get3A_369 = arith.constant 14 : i32
      %get3A_370 = arith.index_cast %get3A_369 : i32 to index
      %get3A_371 = arith.index_cast %mul3A_127 : i32 to index
      %get3A_372 = tpu.vector_load %arg7[%get3A_370, %get3A_371] {strides = array<i32>} : memref<16x1024xf32, #tpu.memory_space<vmem>>, vector<1x16xf32>,
      %get3A_373 = vector.shape_cast %get3A_372 : vector<1x16xf32> to vector<16xf32>
      %add3A_374 = arith.addf %get3A_368, %get3A_373 : vector<16xf32>
      %swap3A_375 = arith.constant 14 : i32
      %swap3A_376 = arith.index_cast %swap3A_375 : i32 to index
      %swap3A_377 = arith.index_cast %mul3A_127 : i32 to index
      %swap3A_378 = tpu.vector_load %arg5[%swap3A_376, %swap3A_377] {strides = array<i32>} : memref<16x1024xf32, #tpu.memory_space<vmem>>, vector<1x16xf32>,
      %swap3A_379 = vector.shape_cast %swap3A_378 : vector<1x16xf32> to vector<16xf32>
      %swap3A_380 = vector.shape_cast %add3A_374 : vector<16xf32> to vector<1x16xf32>
      tpu.vector_store %arg5[%swap3A_376, %swap3A_377], %swap3A_380 {strides = array<i32>} : memref<16x1024xf32, #tpu.memory_space<vmem>>, vector<1x16xf32>,
      %get3A_381 = arith.constant 15 : i32
      %get3A_382 = arith.index_cast %get3A_381 : i32 to index
      %get3A_383 = arith.index_cast %mul3A_127 : i32 to index
      %get3A_384 = tpu.vector_load %arg5[%get3A_382, %get3A_383] {strides = array<i32>} : memref<16x1024xf32, #tpu.memory_space<vmem>>, vector<1x16xf32>,
      %get3A_385 = vector.shape_cast %get3A_384 : vector<1x16xf32> to vector<16xf32>
      %get3A_386 = arith.constant 15 : i32
      %get3A_387 = arith.index_cast %get3A_386 : i32 to index
      %get3A_388 = arith.index_cast %mul3A_127 : i32 to index
      %get3A_389 = tpu.vector_load %arg7[%get3A_387, %get3A_388] {strides = array<i32>} : memref<16x1024xf32, #tpu.memory_space<vmem>>, vector<1x16xf32>,
      %get3A_390 = vector.shape_cast %get3A_389 : vector<1x16xf32> to vector<16xf32>
      %add3A_391 = arith.addf %get3A_385, %get3A_390 : vector<16xf32>
      %swap3A_392 = arith.constant 15 : i32
      %swap3A_393 = arith.index_cast %swap3A_392 : i32 to index
      %swap3A_394 = arith.index_cast %mul3A_127 : i32 to index
      %swap3A_395 = tpu.vector_load %arg5[%swap3A_393, %swap3A_394] {strides = array<i32>} : memref<16x1024xf32, #tpu.memory_space<vmem>>, vector<1x16xf32>,
      %swap3A_396 = vector.shape_cast %swap3A_395 : vector<1x16xf32> to vector<16xf32>
      %swap3A_397 = vector.shape_cast %add3A_391 : vector<16xf32> to vector<1x16xf32>
      tpu.vector_store %arg5[%swap3A_393, %swap3A_394], %swap3A_397 {strides = array<i32>} : memref<16x1024xf32, #tpu.memory_space<vmem>>, vector<1x16xf32>,
      %scan3A_398 = arith.constant 0 : i32
      scf.yield %scan3A_398 : i32
    }
    %scan3A_88 = arith.constant 64 : i32
    %add3A_89 = arith.constant 32 : i32
    %add3A_90 = arith.addi %mul3A_2, %add3A_89 : i32
    %dma_start3A_91 = arith.constant 0 : i32
    %dma_start3A_92 = tpu.memref_slice %arg4[%add3A_90, %dma_start3A_91] : memref<2048x1024xf32, #tpu.memory_space<hbm>> -> memref<16x1024xf32, #tpu.memory_space<hbm>>
    %dma_start3A_93 = arith.constant 0 : i32
    %dma_start3A_94 = tpu.memref_slice %arg4[%add3A_90, %dma_start3A_93] : memref<2048x1024xf32, #tpu.memory_space<hbm>> -> memref<16x1024xf32, #tpu.memory_space<hbm>>
    tpu.enqueue_dma source(%arg5 : memref<16x1024xf32, #tpu.memory_space<vmem>>) target(%dma_start3A_94 : memref<16x1024xf32, #tpu.memory_space<hbm>>) target_semaphore(%arg10 : memref<!tpu.dma_semaphore, #tpu.memory_space<semaphore_mem>>)
    %add3A_95 = arith.constant 48 : i32
    %add3A_96 = arith.addi %mul3A_2, %add3A_95 : i32
    "tpu.region"() ({
      %run_scoped3A = tpu.sem_alloc : memref<!tpu.dma_semaphore, #tpu.memory_space<semaphore_mem>>
      %dma_start3A_124 = arith.constant 0 : i32
      %dma_start3A_125 = tpu.memref_slice %arg3[%add3A_96, %dma_start3A_124] : memref<2048x1024xf32, #tpu.memory_space<hbm>> -> memref<16x1024xf32, #tpu.memory_space<hbm>>
      %dma_start3A_126 = arith.constant 0 : i32
      %dma_start3A_127 = tpu.memref_slice %arg3[%add3A_96, %dma_start3A_126] : memref<2048x1024xf32, #tpu.memory_space<hbm>> -> memref<16x1024xf32, #tpu.memory_space<hbm>>
      tpu.enqueue_dma source(%dma_start3A_127 : memref<16x1024xf32, #tpu.memory_space<hbm>>) target(%arg7 : memref<16x1024xf32, #tpu.memory_space<vmem>>) target_semaphore(%run_scoped3A : memref<!tpu.dma_semaphore, #tpu.memory_space<semaphore_mem>>)
      %dma_wait3A_128 = arith.constant 0 : i32
      %dma_wait3A_129 = tpu.memref_slice %arg3[%add3A_96, %dma_wait3A_128] : memref<2048x1024xf32, #tpu.memory_space<hbm>> -> memref<16x1024xf32, #tpu.memory_space<hbm>>
      %dma_wait3A_130 = arith.constant 0 : i32
      %dma_wait3A_131 = tpu.memref_slice %arg3[%add3A_96, %dma_wait3A_130] : memref<2048x1024xf32, #tpu.memory_space<hbm>> -> memref<16x1024xf32, #tpu.memory_space<hbm>>
      tpu.wait_dma2 semaphore(%run_scoped3A : memref<!tpu.dma_semaphore, #tpu.memory_space<semaphore_mem>>) src(%dma_wait3A_131 : memref<16x1024xf32, #tpu.memory_space<hbm>>) dst(%arg7 : memref<16x1024xf32, #tpu.memory_space<vmem>>)
      tpu.yield
    }) : () -> ()
    %add3A_97 = arith.constant 48 : i32
    %add3A_98 = arith.addi %mul3A_2, %add3A_97 : i32
    %dma_wait3A_99 = arith.constant 0 : i32
    %dma_wait3A_100 = tpu.memref_slice %arg2[%add3A_98, %dma_wait3A_99] : memref<2048x1024xf32, #tpu.memory_space<hbm>> -> memref<16x1024xf32, #tpu.memory_space<hbm>>
    %dma_wait3A_101 = arith.constant 0 : i32
    %dma_wait3A_102 = tpu.memref_slice %arg2[%add3A_98, %dma_wait3A_101] : memref<2048x1024xf32, #tpu.memory_space<hbm>> -> memref<16x1024xf32, #tpu.memory_space<hbm>>
    tpu.wait_dma2 semaphore(%arg9 : memref<!tpu.dma_semaphore, #tpu.memory_space<semaphore_mem>>) src(%dma_wait3A_102 : memref<16x1024xf32, #tpu.memory_space<hbm>>) dst(%arg6 : memref<16x1024xf32, #tpu.memory_space<vmem>>)
    %scan3A_103 = arith.constant 0 : i32
    %scan3A_104 = arith.constant 0 : i32
    %scan3A_105 = arith.constant 64 : i32
    %scan3A_106 = arith.addi %scan3A_104, %scan3A_105 : i32
    %scan3A_107 = arith.constant 1 : i32
    %scan3A_108 = scf.for %scan3A_124 = %scan3A_104 to %scan3A_106 step %scan3A_107 iter_args(%scan3A_125 = %scan3A_103) -> (i32)  : i32 {
      %mul3A_126 = arith.constant 16 : i32
      %mul3A_127 = arith.muli %scan3A_124, %mul3A_126 : i32
      %get3A = arith.constant 0 : i32
      %get3A_128 = arith.index_cast %get3A : i32 to index
      %get3A_129 = arith.index_cast %mul3A_127 : i32 to index
      %get3A_130 = tpu.vector_load %arg6[%get3A_128, %get3A_129] {strides = array<i32>} : memref<16x1024xf32, #tpu.memory_space<vmem>>, vector<1x16xf32>,
      %get3A_131 = vector.shape_cast %get3A_130 : vector<1x16xf32> to vector<16xf32>
      %get3A_132 = arith.constant 0 : i32
      %get3A_133 = arith.index_cast %get3A_132 : i32 to index
      %get3A_134 = arith.index_cast %mul3A_127 : i32 to index
      %get3A_135 = tpu.vector_load %arg7[%get3A_133, %get3A_134] {strides = array<i32>} : memref<16x1024xf32, #tpu.memory_space<vmem>>, vector<1x16xf32>,
      %get3A_136 = vector.shape_cast %get3A_135 : vector<1x16xf32> to vector<16xf32>
      %add3A_137 = arith.addf %get3A_131, %get3A_136 : vector<16xf32>
      %swap3A = arith.constant 0 : i32
      %swap3A_138 = arith.index_cast %swap3A : i32 to index
      %swap3A_139 = arith.index_cast %mul3A_127 : i32 to index
      %swap3A_140 = tpu.vector_load %arg6[%swap3A_138, %swap3A_139] {strides = array<i32>} : memref<16x1024xf32, #tpu.memory_space<vmem>>, vector<1x16xf32>,
      %swap3A_141 = vector.shape_cast %swap3A_140 : vector<1x16xf32> to vector<16xf32>
      %swap3A_142 = vector.shape_cast %add3A_137 : vector<16xf32> to vector<1x16xf32>
      tpu.vector_store %arg6[%swap3A_138, %swap3A_139], %swap3A_142 {strides = array<i32>} : memref<16x1024xf32, #tpu.memory_space<vmem>>, vector<1x16xf32>,
      %get3A_143 = arith.constant 1 : i32
      %get3A_144 = arith.index_cast %get3A_143 : i32 to index
      %get3A_145 = arith.index_cast %mul3A_127 : i32 to index
      %get3A_146 = tpu.vector_load %arg6[%get3A_144, %get3A_145] {strides = array<i32>} : memref<16x1024xf32, #tpu.memory_space<vmem>>, vector<1x16xf32>,
      %get3A_147 = vector.shape_cast %get3A_146 : vector<1x16xf32> to vector<16xf32>
      %get3A_148 = arith.constant 1 : i32
      %get3A_149 = arith.index_cast %get3A_148 : i32 to index
      %get3A_150 = arith.index_cast %mul3A_127 : i32 to index
      %get3A_151 = tpu.vector_load %arg7[%get3A_149, %get3A_150] {strides = array<i32>} : memref<16x1024xf32, #tpu.memory_space<vmem>>, vector<1x16xf32>,
      %get3A_152 = vector.shape_cast %get3A_151 : vector<1x16xf32> to vector<16xf32>
      %add3A_153 = arith.addf %get3A_147, %get3A_152 : vector<16xf32>
      %swap3A_154 = arith.constant 1 : i32
      %swap3A_155 = arith.index_cast %swap3A_154 : i32 to index
      %swap3A_156 = arith.index_cast %mul3A_127 : i32 to index
      %swap3A_157 = tpu.vector_load %arg6[%swap3A_155, %swap3A_156] {strides = array<i32>} : memref<16x1024xf32, #tpu.memory_space<vmem>>, vector<1x16xf32>,
      %swap3A_158 = vector.shape_cast %swap3A_157 : vector<1x16xf32> to vector<16xf32>
      %swap3A_159 = vector.shape_cast %add3A_153 : vector<16xf32> to vector<1x16xf32>
      tpu.vector_store %arg6[%swap3A_155, %swap3A_156], %swap3A_159 {strides = array<i32>} : memref<16x1024xf32, #tpu.memory_space<vmem>>, vector<1x16xf32>,
      %get3A_160 = arith.constant 2 : i32
      %get3A_161 = arith.index_cast %get3A_160 : i32 to index
      %get3A_162 = arith.index_cast %mul3A_127 : i32 to index
      %get3A_163 = tpu.vector_load %arg6[%get3A_161, %get3A_162] {strides = array<i32>} : memref<16x1024xf32, #tpu.memory_space<vmem>>, vector<1x16xf32>,
      %get3A_164 = vector.shape_cast %get3A_163 : vector<1x16xf32> to vector<16xf32>
      %get3A_165 = arith.constant 2 : i32
      %get3A_166 = arith.index_cast %get3A_165 : i32 to index
      %get3A_167 = arith.index_cast %mul3A_127 : i32 to index
      %get3A_168 = tpu.vector_load %arg7[%get3A_166, %get3A_167] {strides = array<i32>} : memref<16x1024xf32, #tpu.memory_space<vmem>>, vector<1x16xf32>,
      %get3A_169 = vector.shape_cast %get3A_168 : vector<1x16xf32> to vector<16xf32>
      %add3A_170 = arith.addf %get3A_164, %get3A_169 : vector<16xf32>
      %swap3A_171 = arith.constant 2 : i32
      %swap3A_172 = arith.index_cast %swap3A_171 : i32 to index
      %swap3A_173 = arith.index_cast %mul3A_127 : i32 to index
      %swap3A_174 = tpu.vector_load %arg6[%swap3A_172, %swap3A_173] {strides = array<i32>} : memref<16x1024xf32, #tpu.memory_space<vmem>>, vector<1x16xf32>,
      %swap3A_175 = vector.shape_cast %swap3A_174 : vector<1x16xf32> to vector<16xf32>
      %swap3A_176 = vector.shape_cast %add3A_170 : vector<16xf32> to vector<1x16xf32>
      tpu.vector_store %arg6[%swap3A_172, %swap3A_173], %swap3A_176 {strides = array<i32>} : memref<16x1024xf32, #tpu.memory_space<vmem>>, vector<1x16xf32>,
      %get3A_177 = arith.constant 3 : i32
      %get3A_178 = arith.index_cast %get3A_177 : i32 to index
      %get3A_179 = arith.index_cast %mul3A_127 : i32 to index
      %get3A_180 = tpu.vector_load %arg6[%get3A_178, %get3A_179] {strides = array<i32>} : memref<16x1024xf32, #tpu.memory_space<vmem>>, vector<1x16xf32>,
      %get3A_181 = vector.shape_cast %get3A_180 : vector<1x16xf32> to vector<16xf32>
      %get3A_182 = arith.constant 3 : i32
      %get3A_183 = arith.index_cast %get3A_182 : i32 to index
      %get3A_184 = arith.index_cast %mul3A_127 : i32 to index
      %get3A_185 = tpu.vector_load %arg7[%get3A_183, %get3A_184] {strides = array<i32>} : memref<16x1024xf32, #tpu.memory_space<vmem>>, vector<1x16xf32>,
      %get3A_186 = vector.shape_cast %get3A_185 : vector<1x16xf32> to vector<16xf32>
      %add3A_187 = arith.addf %get3A_181, %get3A_186 : vector<16xf32>
      %swap3A_188 = arith.constant 3 : i32
      %swap3A_189 = arith.index_cast %swap3A_188 : i32 to index
      %swap3A_190 = arith.index_cast %mul3A_127 : i32 to index
      %swap3A_191 = tpu.vector_load %arg6[%swap3A_189, %swap3A_190] {strides = array<i32>} : memref<16x1024xf32, #tpu.memory_space<vmem>>, vector<1x16xf32>,
      %swap3A_192 = vector.shape_cast %swap3A_191 : vector<1x16xf32> to vector<16xf32>
      %swap3A_193 = vector.shape_cast %add3A_187 : vector<16xf32> to vector<1x16xf32>
      tpu.vector_store %arg6[%swap3A_189, %swap3A_190], %swap3A_193 {strides = array<i32>} : memref<16x1024xf32, #tpu.memory_space<vmem>>, vector<1x16xf32>,
      %get3A_194 = arith.constant 4 : i32
      %get3A_195 = arith.index_cast %get3A_194 : i32 to index
      %get3A_196 = arith.index_cast %mul3A_127 : i32 to index
      %get3A_197 = tpu.vector_load %arg6[%get3A_195, %get3A_196] {strides = array<i32>} : memref<16x1024xf32, #tpu.memory_space<vmem>>, vector<1x16xf32>,
      %get3A_198 = vector.shape_cast %get3A_197 : vector<1x16xf32> to vector<16xf32>
      %get3A_199 = arith.constant 4 : i32
      %get3A_200 = arith.index_cast %get3A_199 : i32 to index
      %get3A_201 = arith.index_cast %mul3A_127 : i32 to index
      %get3A_202 = tpu.vector_load %arg7[%get3A_200, %get3A_201] {strides = array<i32>} : memref<16x1024xf32, #tpu.memory_space<vmem>>, vector<1x16xf32>,
      %get3A_203 = vector.shape_cast %get3A_202 : vector<1x16xf32> to vector<16xf32>
      %add3A_204 = arith.addf %get3A_198, %get3A_203 : vector<16xf32>
      %swap3A_205 = arith.constant 4 : i32
      %swap3A_206 = arith.index_cast %swap3A_205 : i32 to index
      %swap3A_207 = arith.index_cast %mul3A_127 : i32 to index
      %swap3A_208 = tpu.vector_load %arg6[%swap3A_206, %swap3A_207] {strides = array<i32>} : memref<16x1024xf32, #tpu.memory_space<vmem>>, vector<1x16xf32>,
      %swap3A_209 = vector.shape_cast %swap3A_208 : vector<1x16xf32> to vector<16xf32>
      %swap3A_210 = vector.shape_cast %add3A_204 : vector<16xf32> to vector<1x16xf32>
      tpu.vector_store %arg6[%swap3A_206, %swap3A_207], %swap3A_210 {strides = array<i32>} : memref<16x1024xf32, #tpu.memory_space<vmem>>, vector<1x16xf32>,
      %get3A_211 = arith.constant 5 : i32
      %get3A_212 = arith.index_cast %get3A_211 : i32 to index
      %get3A_213 = arith.index_cast %mul3A_127 : i32 to index
      %get3A_214 = tpu.vector_load %arg6[%get3A_212, %get3A_213] {strides = array<i32>} : memref<16x1024xf32, #tpu.memory_space<vmem>>, vector<1x16xf32>,
      %get3A_215 = vector.shape_cast %get3A_214 : vector<1x16xf32> to vector<16xf32>
      %get3A_216 = arith.constant 5 : i32
      %get3A_217 = arith.index_cast %get3A_216 : i32 to index
      %get3A_218 = arith.index_cast %mul3A_127 : i32 to index
      %get3A_219 = tpu.vector_load %arg7[%get3A_217, %get3A_218] {strides = array<i32>} : memref<16x1024xf32, #tpu.memory_space<vmem>>, vector<1x16xf32>,
      %get3A_220 = vector.shape_cast %get3A_219 : vector<1x16xf32> to vector<16xf32>
      %add3A_221 = arith.addf %get3A_215, %get3A_220 : vector<16xf32>
      %swap3A_222 = arith.constant 5 : i32
      %swap3A_223 = arith.index_cast %swap3A_222 : i32 to index
      %swap3A_224 = arith.index_cast %mul3A_127 : i32 to index
      %swap3A_225 = tpu.vector_load %arg6[%swap3A_223, %swap3A_224] {strides = array<i32>} : memref<16x1024xf32, #tpu.memory_space<vmem>>, vector<1x16xf32>,
      %swap3A_226 = vector.shape_cast %swap3A_225 : vector<1x16xf32> to vector<16xf32>
      %swap3A_227 = vector.shape_cast %add3A_221 : vector<16xf32> to vector<1x16xf32>
      tpu.vector_store %arg6[%swap3A_223, %swap3A_224], %swap3A_227 {strides = array<i32>} : memref<16x1024xf32, #tpu.memory_space<vmem>>, vector<1x16xf32>,
      %get3A_228 = arith.constant 6 : i32
      %get3A_229 = arith.index_cast %get3A_228 : i32 to index
      %get3A_230 = arith.index_cast %mul3A_127 : i32 to index
      %get3A_231 = tpu.vector_load %arg6[%get3A_229, %get3A_230] {strides = array<i32>} : memref<16x1024xf32, #tpu.memory_space<vmem>>, vector<1x16xf32>,
      %get3A_232 = vector.shape_cast %get3A_231 : vector<1x16xf32> to vector<16xf32>
      %get3A_233 = arith.constant 6 : i32
      %get3A_234 = arith.index_cast %get3A_233 : i32 to index
      %get3A_235 = arith.index_cast %mul3A_127 : i32 to index
      %get3A_236 = tpu.vector_load %arg7[%get3A_234, %get3A_235] {strides = array<i32>} : memref<16x1024xf32, #tpu.memory_space<vmem>>, vector<1x16xf32>,
      %get3A_237 = vector.shape_cast %get3A_236 : vector<1x16xf32> to vector<16xf32>
      %add3A_238 = arith.addf %get3A_232, %get3A_237 : vector<16xf32>
      %swap3A_239 = arith.constant 6 : i32
      %swap3A_240 = arith.index_cast %swap3A_239 : i32 to index
      %swap3A_241 = arith.index_cast %mul3A_127 : i32 to index
      %swap3A_242 = tpu.vector_load %arg6[%swap3A_240, %swap3A_241] {strides = array<i32>} : memref<16x1024xf32, #tpu.memory_space<vmem>>, vector<1x16xf32>,
      %swap3A_243 = vector.shape_cast %swap3A_242 : vector<1x16xf32> to vector<16xf32>
      %swap3A_244 = vector.shape_cast %add3A_238 : vector<16xf32> to vector<1x16xf32>
      tpu.vector_store %arg6[%swap3A_240, %swap3A_241], %swap3A_244 {strides = array<i32>} : memref<16x1024xf32, #tpu.memory_space<vmem>>, vector<1x16xf32>,
      %get3A_245 = arith.constant 7 : i32
      %get3A_246 = arith.index_cast %get3A_245 : i32 to index
      %get3A_247 = arith.index_cast %mul3A_127 : i32 to index
      %get3A_248 = tpu.vector_load %arg6[%get3A_246, %get3A_247] {strides = array<i32>} : memref<16x1024xf32, #tpu.memory_space<vmem>>, vector<1x16xf32>,
      %get3A_249 = vector.shape_cast %get3A_248 : vector<1x16xf32> to vector<16xf32>
      %get3A_250 = arith.constant 7 : i32
      %get3A_251 = arith.index_cast %get3A_250 : i32 to index
      %get3A_252 = arith.index_cast %mul3A_127 : i32 to index
      %get3A_253 = tpu.vector_load %arg7[%get3A_251, %get3A_252] {strides = array<i32>} : memref<16x1024xf32, #tpu.memory_space<vmem>>, vector<1x16xf32>,
      %get3A_254 = vector.shape_cast %get3A_253 : vector<1x16xf32> to vector<16xf32>
      %add3A_255 = arith.addf %get3A_249, %get3A_254 : vector<16xf32>
      %swap3A_256 = arith.constant 7 : i32
      %swap3A_257 = arith.index_cast %swap3A_256 : i32 to index
      %swap3A_258 = arith.index_cast %mul3A_127 : i32 to index
      %swap3A_259 = tpu.vector_load %arg6[%swap3A_257, %swap3A_258] {strides = array<i32>} : memref<16x1024xf32, #tpu.memory_space<vmem>>, vector<1x16xf32>,
      %swap3A_260 = vector.shape_cast %swap3A_259 : vector<1x16xf32> to vector<16xf32>
      %swap3A_261 = vector.shape_cast %add3A_255 : vector<16xf32> to vector<1x16xf32>
      tpu.vector_store %arg6[%swap3A_257, %swap3A_258], %swap3A_261 {strides = array<i32>} : memref<16x1024xf32, #tpu.memory_space<vmem>>, vector<1x16xf32>,
      %get3A_262 = arith.constant 8 : i32
      %get3A_263 = arith.index_cast %get3A_262 : i32 to index
      %get3A_264 = arith.index_cast %mul3A_127 : i32 to index
      %get3A_265 = tpu.vector_load %arg6[%get3A_263, %get3A_264] {strides = array<i32>} : memref<16x1024xf32, #tpu.memory_space<vmem>>, vector<1x16xf32>,
      %get3A_266 = vector.shape_cast %get3A_265 : vector<1x16xf32> to vector<16xf32>
      %get3A_267 = arith.constant 8 : i32
      %get3A_268 = arith.index_cast %get3A_267 : i32 to index
      %get3A_269 = arith.index_cast %mul3A_127 : i32 to index
      %get3A_270 = tpu.vector_load %arg7[%get3A_268, %get3A_269] {strides = array<i32>} : memref<16x1024xf32, #tpu.memory_space<vmem>>, vector<1x16xf32>,
      %get3A_271 = vector.shape_cast %get3A_270 : vector<1x16xf32> to vector<16xf32>
      %add3A_272 = arith.addf %get3A_266, %get3A_271 : vector<16xf32>
      %swap3A_273 = arith.constant 8 : i32
      %swap3A_274 = arith.index_cast %swap3A_273 : i32 to index
      %swap3A_275 = arith.index_cast %mul3A_127 : i32 to index
      %swap3A_276 = tpu.vector_load %arg6[%swap3A_274, %swap3A_275] {strides = array<i32>} : memref<16x1024xf32, #tpu.memory_space<vmem>>, vector<1x16xf32>,
      %swap3A_277 = vector.shape_cast %swap3A_276 : vector<1x16xf32> to vector<16xf32>
      %swap3A_278 = vector.shape_cast %add3A_272 : vector<16xf32> to vector<1x16xf32>
      tpu.vector_store %arg6[%swap3A_274, %swap3A_275], %swap3A_278 {strides = array<i32>} : memref<16x1024xf32, #tpu.memory_space<vmem>>, vector<1x16xf32>,
      %get3A_279 = arith.constant 9 : i32
      %get3A_280 = arith.index_cast %get3A_279 : i32 to index
      %get3A_281 = arith.index_cast %mul3A_127 : i32 to index
      %get3A_282 = tpu.vector_load %arg6[%get3A_280, %get3A_281] {strides = array<i32>} : memref<16x1024xf32, #tpu.memory_space<vmem>>, vector<1x16xf32>,
      %get3A_283 = vector.shape_cast %get3A_282 : vector<1x16xf32> to vector<16xf32>
      %get3A_284 = arith.constant 9 : i32
      %get3A_285 = arith.index_cast %get3A_284 : i32 to index
      %get3A_286 = arith.index_cast %mul3A_127 : i32 to index
      %get3A_287 = tpu.vector_load %arg7[%get3A_285, %get3A_286] {strides = array<i32>} : memref<16x1024xf32, #tpu.memory_space<vmem>>, vector<1x16xf32>,
      %get3A_288 = vector.shape_cast %get3A_287 : vector<1x16xf32> to vector<16xf32>
      %add3A_289 = arith.addf %get3A_283, %get3A_288 : vector<16xf32>
      %swap3A_290 = arith.constant 9 : i32
      %swap3A_291 = arith.index_cast %swap3A_290 : i32 to index
      %swap3A_292 = arith.index_cast %mul3A_127 : i32 to index
      %swap3A_293 = tpu.vector_load %arg6[%swap3A_291, %swap3A_292] {strides = array<i32>} : memref<16x1024xf32, #tpu.memory_space<vmem>>, vector<1x16xf32>,
      %swap3A_294 = vector.shape_cast %swap3A_293 : vector<1x16xf32> to vector<16xf32>
      %swap3A_295 = vector.shape_cast %add3A_289 : vector<16xf32> to vector<1x16xf32>
      tpu.vector_store %arg6[%swap3A_291, %swap3A_292], %swap3A_295 {strides = array<i32>} : memref<16x1024xf32, #tpu.memory_space<vmem>>, vector<1x16xf32>,
      %get3A_296 = arith.constant 10 : i32
      %get3A_297 = arith.index_cast %get3A_296 : i32 to index
      %get3A_298 = arith.index_cast %mul3A_127 : i32 to index
      %get3A_299 = tpu.vector_load %arg6[%get3A_297, %get3A_298] {strides = array<i32>} : memref<16x1024xf32, #tpu.memory_space<vmem>>, vector<1x16xf32>,
      %get3A_300 = vector.shape_cast %get3A_299 : vector<1x16xf32> to vector<16xf32>
      %get3A_301 = arith.constant 10 : i32
      %get3A_302 = arith.index_cast %get3A_301 : i32 to index
      %get3A_303 = arith.index_cast %mul3A_127 : i32 to index
      %get3A_304 = tpu.vector_load %arg7[%get3A_302, %get3A_303] {strides = array<i32>} : memref<16x1024xf32, #tpu.memory_space<vmem>>, vector<1x16xf32>,
      %get3A_305 = vector.shape_cast %get3A_304 : vector<1x16xf32> to vector<16xf32>
      %add3A_306 = arith.addf %get3A_300, %get3A_305 : vector<16xf32>
      %swap3A_307 = arith.constant 10 : i32
      %swap3A_308 = arith.index_cast %swap3A_307 : i32 to index
      %swap3A_309 = arith.index_cast %mul3A_127 : i32 to index
      %swap3A_310 = tpu.vector_load %arg6[%swap3A_308, %swap3A_309] {strides = array<i32>} : memref<16x1024xf32, #tpu.memory_space<vmem>>, vector<1x16xf32>,
      %swap3A_311 = vector.shape_cast %swap3A_310 : vector<1x16xf32> to vector<16xf32>
      %swap3A_312 = vector.shape_cast %add3A_306 : vector<16xf32> to vector<1x16xf32>
      tpu.vector_store %arg6[%swap3A_308, %swap3A_309], %swap3A_312 {strides = array<i32>} : memref<16x1024xf32, #tpu.memory_space<vmem>>, vector<1x16xf32>,
      %get3A_313 = arith.constant 11 : i32
      %get3A_314 = arith.index_cast %get3A_313 : i32 to index
      %get3A_315 = arith.index_cast %mul3A_127 : i32 to index
      %get3A_316 = tpu.vector_load %arg6[%get3A_314, %get3A_315] {strides = array<i32>} : memref<16x1024xf32, #tpu.memory_space<vmem>>, vector<1x16xf32>,
      %get3A_317 = vector.shape_cast %get3A_316 : vector<1x16xf32> to vector<16xf32>
      %get3A_318 = arith.constant 11 : i32
      %get3A_319 = arith.index_cast %get3A_318 : i32 to index
      %get3A_320 = arith.index_cast %mul3A_127 : i32 to index
      %get3A_321 = tpu.vector_load %arg7[%get3A_319, %get3A_320] {strides = array<i32>} : memref<16x1024xf32, #tpu.memory_space<vmem>>, vector<1x16xf32>,
      %get3A_322 = vector.shape_cast %get3A_321 : vector<1x16xf32> to vector<16xf32>
      %add3A_323 = arith.addf %get3A_317, %get3A_322 : vector<16xf32>
      %swap3A_324 = arith.constant 11 : i32
      %swap3A_325 = arith.index_cast %swap3A_324 : i32 to index
      %swap3A_326 = arith.index_cast %mul3A_127 : i32 to index
      %swap3A_327 = tpu.vector_load %arg6[%swap3A_325, %swap3A_326] {strides = array<i32>} : memref<16x1024xf32, #tpu.memory_space<vmem>>, vector<1x16xf32>,
      %swap3A_328 = vector.shape_cast %swap3A_327 : vector<1x16xf32> to vector<16xf32>
      %swap3A_329 = vector.shape_cast %add3A_323 : vector<16xf32> to vector<1x16xf32>
      tpu.vector_store %arg6[%swap3A_325, %swap3A_326], %swap3A_329 {strides = array<i32>} : memref<16x1024xf32, #tpu.memory_space<vmem>>, vector<1x16xf32>,
      %get3A_330 = arith.constant 12 : i32
      %get3A_331 = arith.index_cast %get3A_330 : i32 to index
      %get3A_332 = arith.index_cast %mul3A_127 : i32 to index
      %get3A_333 = tpu.vector_load %arg6[%get3A_331, %get3A_332] {strides = array<i32>} : memref<16x1024xf32, #tpu.memory_space<vmem>>, vector<1x16xf32>,
      %get3A_334 = vector.shape_cast %get3A_333 : vector<1x16xf32> to vector<16xf32>
      %get3A_335 = arith.constant 12 : i32
      %get3A_336 = arith.index_cast %get3A_335 : i32 to index
      %get3A_337 = arith.index_cast %mul3A_127 : i32 to index
      %get3A_338 = tpu.vector_load %arg7[%get3A_336, %get3A_337] {strides = array<i32>} : memref<16x1024xf32, #tpu.memory_space<vmem>>, vector<1x16xf32>,
      %get3A_339 = vector.shape_cast %get3A_338 : vector<1x16xf32> to vector<16xf32>
      %add3A_340 = arith.addf %get3A_334, %get3A_339 : vector<16xf32>
      %swap3A_341 = arith.constant 12 : i32
      %swap3A_342 = arith.index_cast %swap3A_341 : i32 to index
      %swap3A_343 = arith.index_cast %mul3A_127 : i32 to index
      %swap3A_344 = tpu.vector_load %arg6[%swap3A_342, %swap3A_343] {strides = array<i32>} : memref<16x1024xf32, #tpu.memory_space<vmem>>, vector<1x16xf32>,
      %swap3A_345 = vector.shape_cast %swap3A_344 : vector<1x16xf32> to vector<16xf32>
      %swap3A_346 = vector.shape_cast %add3A_340 : vector<16xf32> to vector<1x16xf32>
      tpu.vector_store %arg6[%swap3A_342, %swap3A_343], %swap3A_346 {strides = array<i32>} : memref<16x1024xf32, #tpu.memory_space<vmem>>, vector<1x16xf32>,
      %get3A_347 = arith.constant 13 : i32
      %get3A_348 = arith.index_cast %get3A_347 : i32 to index
      %get3A_349 = arith.index_cast %mul3A_127 : i32 to index
      %get3A_350 = tpu.vector_load %arg6[%get3A_348, %get3A_349] {strides = array<i32>} : memref<16x1024xf32, #tpu.memory_space<vmem>>, vector<1x16xf32>,
      %get3A_351 = vector.shape_cast %get3A_350 : vector<1x16xf32> to vector<16xf32>
      %get3A_352 = arith.constant 13 : i32
      %get3A_353 = arith.index_cast %get3A_352 : i32 to index
      %get3A_354 = arith.index_cast %mul3A_127 : i32 to index
      %get3A_355 = tpu.vector_load %arg7[%get3A_353, %get3A_354] {strides = array<i32>} : memref<16x1024xf32, #tpu.memory_space<vmem>>, vector<1x16xf32>,
      %get3A_356 = vector.shape_cast %get3A_355 : vector<1x16xf32> to vector<16xf32>
      %add3A_357 = arith.addf %get3A_351, %get3A_356 : vector<16xf32>
      %swap3A_358 = arith.constant 13 : i32
      %swap3A_359 = arith.index_cast %swap3A_358 : i32 to index
      %swap3A_360 = arith.index_cast %mul3A_127 : i32 to index
      %swap3A_361 = tpu.vector_load %arg6[%swap3A_359, %swap3A_360] {strides = array<i32>} : memref<16x1024xf32, #tpu.memory_space<vmem>>, vector<1x16xf32>,
      %swap3A_362 = vector.shape_cast %swap3A_361 : vector<1x16xf32> to vector<16xf32>
      %swap3A_363 = vector.shape_cast %add3A_357 : vector<16xf32> to vector<1x16xf32>
      tpu.vector_store %arg6[%swap3A_359, %swap3A_360], %swap3A_363 {strides = array<i32>} : memref<16x1024xf32, #tpu.memory_space<vmem>>, vector<1x16xf32>,
      %get3A_364 = arith.constant 14 : i32
      %get3A_365 = arith.index_cast %get3A_364 : i32 to index
      %get3A_366 = arith.index_cast %mul3A_127 : i32 to index
      %get3A_367 = tpu.vector_load %arg6[%get3A_365, %get3A_366] {strides = array<i32>} : memref<16x1024xf32, #tpu.memory_space<vmem>>, vector<1x16xf32>,
      %get3A_368 = vector.shape_cast %get3A_367 : vector<1x16xf32> to vector<16xf32>
      %get3A_369 = arith.constant 14 : i32
      %get3A_370 = arith.index_cast %get3A_369 : i32 to index
      %get3A_371 = arith.index_cast %mul3A_127 : i32 to index
      %get3A_372 = tpu.vector_load %arg7[%get3A_370, %get3A_371] {strides = array<i32>} : memref<16x1024xf32, #tpu.memory_space<vmem>>, vector<1x16xf32>,
      %get3A_373 = vector.shape_cast %get3A_372 : vector<1x16xf32> to vector<16xf32>
      %add3A_374 = arith.addf %get3A_368, %get3A_373 : vector<16xf32>
      %swap3A_375 = arith.constant 14 : i32
      %swap3A_376 = arith.index_cast %swap3A_375 : i32 to index
      %swap3A_377 = arith.index_cast %mul3A_127 : i32 to index
      %swap3A_378 = tpu.vector_load %arg6[%swap3A_376, %swap3A_377] {strides = array<i32>} : memref<16x1024xf32, #tpu.memory_space<vmem>>, vector<1x16xf32>,
      %swap3A_379 = vector.shape_cast %swap3A_378 : vector<1x16xf32> to vector<16xf32>
      %swap3A_380 = vector.shape_cast %add3A_374 : vector<16xf32> to vector<1x16xf32>
      tpu.vector_store %arg6[%swap3A_376, %swap3A_377], %swap3A_380 {strides = array<i32>} : memref<16x1024xf32, #tpu.memory_space<vmem>>, vector<1x16xf32>,
      %get3A_381 = arith.constant 15 : i32
      %get3A_382 = arith.index_cast %get3A_381 : i32 to index
      %get3A_383 = arith.index_cast %mul3A_127 : i32 to index
      %get3A_384 = tpu.vector_load %arg6[%get3A_382, %get3A_383] {strides = array<i32>} : memref<16x1024xf32, #tpu.memory_space<vmem>>, vector<1x16xf32>,
      %get3A_385 = vector.shape_cast %get3A_384 : vector<1x16xf32> to vector<16xf32>
      %get3A_386 = arith.constant 15 : i32
      %get3A_387 = arith.index_cast %get3A_386 : i32 to index
      %get3A_388 = arith.index_cast %mul3A_127 : i32 to index
      %get3A_389 = tpu.vector_load %arg7[%get3A_387, %get3A_388] {strides = array<i32>} : memref<16x1024xf32, #tpu.memory_space<vmem>>, vector<1x16xf32>,
      %get3A_390 = vector.shape_cast %get3A_389 : vector<1x16xf32> to vector<16xf32>
      %add3A_391 = arith.addf %get3A_385, %get3A_390 : vector<16xf32>
      %swap3A_392 = arith.constant 15 : i32
      %swap3A_393 = arith.index_cast %swap3A_392 : i32 to index
      %swap3A_394 = arith.index_cast %mul3A_127 : i32 to index
      %swap3A_395 = tpu.vector_load %arg6[%swap3A_393, %swap3A_394] {strides = array<i32>} : memref<16x1024xf32, #tpu.memory_space<vmem>>, vector<1x16xf32>,
      %swap3A_396 = vector.shape_cast %swap3A_395 : vector<1x16xf32> to vector<16xf32>
      %swap3A_397 = vector.shape_cast %add3A_391 : vector<16xf32> to vector<1x16xf32>
      tpu.vector_store %arg6[%swap3A_393, %swap3A_394], %swap3A_397 {strides = array<i32>} : memref<16x1024xf32, #tpu.memory_space<vmem>>, vector<1x16xf32>,
      %scan3A_398 = arith.constant 0 : i32
      scf.yield %scan3A_398 : i32
    }
    %scan3A_109 = arith.constant 64 : i32
    %add3A_110 = arith.constant 48 : i32
    %add3A_111 = arith.addi %mul3A_2, %add3A_110 : i32
    %dma_start3A_112 = arith.constant 0 : i32
    %dma_start3A_113 = tpu.memref_slice %arg4[%add3A_111, %dma_start3A_112] : memref<2048x1024xf32, #tpu.memory_space<hbm>> -> memref<16x1024xf32, #tpu.memory_space<hbm>>
    %dma_start3A_114 = arith.constant 0 : i32
    %dma_start3A_115 = tpu.memref_slice %arg4[%add3A_111, %dma_start3A_114] : memref<2048x1024xf32, #tpu.memory_space<hbm>> -> memref<16x1024xf32, #tpu.memory_space<hbm>>
    tpu.enqueue_dma source(%arg6 : memref<16x1024xf32, #tpu.memory_space<vmem>>) target(%dma_start3A_115 : memref<16x1024xf32, #tpu.memory_space<hbm>>) target_semaphore(%arg11 : memref<!tpu.dma_semaphore, #tpu.memory_space<semaphore_mem>>)
    %dma_wait3A_116 = arith.constant 0 : i32
    %dma_wait3A_117 = tpu.memref_slice %arg4[%add3A_90, %dma_wait3A_116] : memref<2048x1024xf32, #tpu.memory_space<hbm>> -> memref<16x1024xf32, #tpu.memory_space<hbm>>
    %dma_wait3A_118 = arith.constant 0 : i32
    %dma_wait3A_119 = tpu.memref_slice %arg4[%add3A_90, %dma_wait3A_118] : memref<2048x1024xf32, #tpu.memory_space<hbm>> -> memref<16x1024xf32, #tpu.memory_space<hbm>>
    tpu.wait_dma2 semaphore(%arg10 : memref<!tpu.dma_semaphore, #tpu.memory_space<semaphore_mem>>) src(%arg5 : memref<16x1024xf32, #tpu.memory_space<vmem>>) dst(%dma_wait3A_119 : memref<16x1024xf32, #tpu.memory_space<hbm>>)
    %dma_wait3A_120 = arith.constant 0 : i32
    %dma_wait3A_121 = tpu.memref_slice %arg4[%add3A_111, %dma_wait3A_120] : memref<2048x1024xf32, #tpu.memory_space<hbm>> -> memref<16x1024xf32, #tpu.memory_space<hbm>>
    %dma_wait3A_122 = arith.constant 0 : i32
    %dma_wait3A_123 = tpu.memref_slice %arg4[%add3A_111, %dma_wait3A_122] : memref<2048x1024xf32, #tpu.memory_space<hbm>> -> memref<16x1024xf32, #tpu.memory_space<hbm>>
    tpu.wait_dma2 semaphore(%arg11 : memref<!tpu.dma_semaphore, #tpu.memory_space<semaphore_mem>>) src(%arg6 : memref<16x1024xf32, #tpu.memory_space<vmem>>) dst(%dma_wait3A_123 : memref<16x1024xf32, #tpu.memory_space<hbm>>)
    return
  }
}

module attributes {stable_mosaic.version = 14 : i64} {
  func.func @_tc_kernel(%arg0: i32, %arg1: i32, %arg2: memref<1x2048x1024xf32, #tpu.memory_space<vmem>>, %arg3: memref<2048x1024xf32, #tpu.memory_space<vmem>>, %arg4: memref<1x2048x1024xf32, #tpu.memory_space<vmem>>) attributes {dimension_semantics = [#tpu.dimension_semantics<parallel>, #tpu.dimension_semantics<parallel>], iteration_bounds = array<i64: 1, 3>, scalar_prefetch = 0 : i64, scratch_operands = 0 : i64, tpu.core_type = #tpu.core_type<tc>, window_params = [{transform_indices = @transform_0, window_bounds = array<i64: 1, 2048, 1024>}, {transform_indices = @transform_1, window_bounds = array<i64: 2048, 1024>}, {transform_indices = @transform_2, window_bounds = array<i64: 1, 2048, 1024>}]} {
    %get3A = arith.constant 0 : index
    %get3A_0 = arith.constant 0 : index
    %get3A_1 = arith.constant 0 : index
    %get3A_2 = vector.load %arg2[%get3A, %get3A_0, %get3A_1] : memref<1x2048x1024xf32, #tpu.memory_space<vmem>>, vector<1x2048x1024xf32>
    %get3A_3 = arith.constant 0 : index
    %get3A_4 = arith.constant 0 : index
    %get3A_5 = vector.load %arg3[%get3A_3, %get3A_4] : memref<2048x1024xf32, #tpu.memory_space<vmem>>, vector<2048x1024xf32>
    %broadcast_in_dim3A = vector.shape_cast %get3A_5 : vector<2048x1024xf32> to vector<1x2048x1024xf32>
    %add3A = arith.addf %get3A_2, %broadcast_in_dim3A : vector<1x2048x1024xf32>
    %swap3A = arith.constant 0 : index
    %swap3A_6 = arith.constant 0 : index
    %swap3A_7 = arith.constant 0 : index
    %swap3A_8 = vector.load %arg4[%swap3A, %swap3A_6, %swap3A_7] : memref<1x2048x1024xf32, #tpu.memory_space<vmem>>, vector<1x2048x1024xf32>
    tpu.vector_store %arg4[%swap3A, %swap3A_6, %swap3A_7], %add3A {strides = array<i32>} : memref<1x2048x1024xf32, #tpu.memory_space<vmem>>, vector<1x2048x1024xf32>,
    return
  }
  func.func @transform_0(%arg0: i32, %arg1: i32) -> (i32, i32, i32) {
    %c0_i32 = arith.constant 0 : i32
    %c0_i32_0 = arith.constant 0 : i32
    return %arg1, %arg0, %c0_i32 : i32, i32, i32
  }
  func.func @transform_1(%arg0: i32, %arg1: i32) -> (i32, i32) {
    %c0_i32 = arith.constant 0 : i32
    %c0_i32_0 = arith.constant 0 : i32
    return %arg0, %c0_i32 : i32, i32
  }
  func.func @transform_2(%arg0: i32, %arg1: i32) -> (i32, i32, i32) {
    %c0_i32 = arith.constant 0 : i32
    %c0_i32_0 = arith.constant 0 : i32
    return %arg1, %arg0, %c0_i32 : i32, i32, i32
  }
}

</mosaic_0001>

<sc_bundles>
// kernel: kernel.4.cloned.1.call-start
scs
__scs_entry_jumppad:
0x0: {  	(pc) =	sbr.rel $0x88, $3  }
0x1: {  	(tag) =	ssettag $0x0;
	lr =	simm.s32 $0x1  }
0x2: {  	[smem:$0x3F9F] =	sst lr;
	_ =	strace $0xD0000000  }
0x3: {  	_ = 	snop  }
0x4: {  	_ = 	snop  }
0x5: {  	_ = 	snop  }
0x6: {  	_ = 	snop  }
0x7: {  	_ = 	snop  }
__scs_overlays_trampoline_lowered:
0x8: {  	[smem:$0x3FAE] =	sst s0  }
0x9: {  	[smem:$0x3FAF] =	sst s1  }
0xa: {  	[smem:$0x3FB0] =	sst s2  }
0xb: {  	[smem:$0x3FB1] =	sst s3  }
0xc: {  	[smem:$0x3FB2] =	sst s4  }
0xd: {  	[smem:$0x3FB3] =	sst s5  }
0xe: {  	[smem:$0x3FB4] =	sst s6  }
0xf: {  	[smem:$0x3FB5] =	sst s7  }
0x10: {  	[smem:$0x3FB6] =	sst s8  }
0x11: {  	[smem:$0x3FB7] =	sst s9;
	s0 =	simm.s32 @!p0 $0x0  }
0x12: {  	s1 =	sld [smem:$0x3F9D];
	s0 =	simm.s32 @p0 $0x1  }
0x13: {  	[smem:$0x3FB8] =	sst s0;
	s0 =	simm.s32 @!p1 $0x0  }
0x14: {  	s2 =	sld [smem:$0x3F9C];
	s0 =	simm.s32 @p1 $0x1  }
0x15: {  	[smem:$0x3FB9] =	sst s0;
	s0 =	simm.s32 @!p2 $0x0  }
0x16: {  	s3 =	sld [smem:$0x3FDB];
	s0 =	simm.s32 @p2 $0x1  }
0x17: {  	s4 =	simm.s32 $0x1BF5;
	[smem:$0x3FBB] =	sst s0  }
0x18: {  	s0 =	sld [smem:$0x3F9E];
	_ =	swait.ge [sflag:s4], $0x0  }
0x19: {  	s7 =	sld [smem:$0x3F9F]  }
0x1a: {  	s8 =	sadd.s32 $0xFFFFE003, lr  }
0x1b: {  	s9 =	sadd.s32 $0xFFFFFEF7, lr;
	s5 =	simm.s32 $0xFFFFFFFF;
	p2 =	slt.u32 s8, $0xFFFFF086  }
0x1c: {  	p1 =	slt.u32 s9, $0xF7A;
	s5 =	simm.s32 @!p2 $0x0  }
0x1d: {  	s5 =	simm.s32 @p1 $0x1;
	p0 =	seq.s32 s7, s2  }
0x1e: {  	s7 =	smul.u32 @!p0 $0xF7A, s2;
	p2 =	seq.s32 @!p0 s5, $0x0  }
0x1f: {  	s9 =	smul.u32 $0xF7A, s1;
	s8 =	simm.s32 @!p0 $0x1BF5;
	p2 =	por !p2, p0  }
0x20: {  	[sflag:s8] =	ssyncset.s32 @!p0 $0xFFFFF086;
	s6 =	sadd.s32 @!p0 s3, s7;
	s7 =	simm.s32 @!p0 $0x108  }
0x21: {  	s3 =	sadd.s32 s3, s9;
	s6 =	sadd.s32 @!p0 $0x88, s6;
	s7 =	simm.s32 @p2 $0x1082  }
0x22: {  	[simem:s7], [sflag:s8] =	dma.local @!p0 [hbm:s6], $0xF7A  }
0x23: {  	s9 =	sor.u32 $0xD0000000, s2;
	s6 =	simm.s32 $0x108;
	_ =	swait.ge @!p0 [sflag:s8], $0x0  }
0x24: {  	s3 =	sadd.s32 $0x88, s3;
	s6 =	simm.s32 @!p1 $0x1082;
	[sflag:s4] =	ssyncset.s32 $0xFFFFF086  }
0x25: {  	[simem:s6], [sflag:s4] =	dma.local [hbm:s3], $0xF7A  }
0x26: {  	[smem:$0x3F9F] =	sst s1;
	(tag) =	ssettag s2;
	_ =	strace s9  }
0x27: {  	s1 =	sld [smem:$0x3FAF]  }
0x28: {  	s2 =	sld [smem:$0x3FB0]  }
0x29: {  	s4 =	sld [smem:$0x3FB2]  }
0x2a: {  	p0 =	seq.s32 s5, $0x0;
	s5 =	sld [smem:$0x3FB3]  }
0x2b: {  	s6 =	sld [smem:$0x3FB4]  }
0x2c: {  	s7 =	sld [smem:$0x3FB5]  }
0x2d: {  	s3 =	simm.s32 $0x108;
	s8 =	sld [smem:$0x3FB6]  }
0x2e: {  	s3 =	simm.s32 @!p0 $0x1082;
	s9 =	sld [smem:$0x3FB7]  }
0x2f: {  	lr =	sadd.s32 s0, s3;
	s0 =	sld [smem:$0x3FAE]  }
0x30: {  	s3 =	sld [smem:$0x3FB1]  }
0x31: {  	[smem:$0x3FBA] =	sst s10  }
0x32: {  	s10 =	sld [smem:$0x3FB8];
	_ =	sdelay $0x3  }
0x33: {  	p0 =	seq.s32 s10, $0x1;
	s10 =	sld [smem:$0x3FBA];
	_ =	sdelay $0x3  }
0x34: {  	[smem:$0x3FBA] =	sst s10  }
0x35: {  	s10 =	sld [smem:$0x3FB9];
	_ =	sdelay $0x3  }
0x36: {  	p1 =	seq.s32 s10, $0x1;
	s10 =	sld [smem:$0x3FBA];
	_ =	sdelay $0x3  }
0x37: {  	[smem:$0x3FBA] =	sst s10  }
0x38: {  	s10 =	sld [smem:$0x3FBB]  }
0x39: {  	_ = 	snop;
	(pc) =	sbr.ind lr, $3  }
0x3a: {  	_ = 	snop  }
0x3b: {  	_ = 	snop  }
0x3c: {  	p2 =	seq.s32 s10, $0x1;
	s10 =	sld [smem:$0x3FBA]  }
0x3d: {  	_ =	shalt  }
0x3e: {  	_ =	shalt  }
0x3f: {  	_ =	shalt  }
0x40: {  	_ =	shalt  }
0x41: {  	_ =	shalt  }
0x42: {  	_ =	shalt  }
0x43: {  	_ =	shalt  }
0x44: {  	_ =	shalt  }
0x45: {  	_ =	shalt  }
0x46: {  	_ =	shalt  }
0x47: {  	_ =	shalt  }
0x48: {  	_ =	shalt  }
0x49: {  	_ =	shalt  }
0x4a: {  	_ =	shalt  }
0x4b: {  	_ =	shalt  }
0x4c: {  	_ =	shalt  }
0x4d: {  	_ =	shalt  }
0x4e: {  	_ =	shalt  }
0x4f: {  	_ =	shalt  }
0x50: {  	_ =	shalt  }
0x51: {  	_ =	shalt  }
0x52: {  	_ =	shalt  }
0x53: {  	_ =	shalt  }
0x54: {  	_ =	shalt  }
0x55: {  	_ =	shalt  }
0x56: {  	_ =	shalt  }
0x57: {  	_ =	shalt  }
0x58: {  	_ =	shalt  }
0x59: {  	_ =	shalt  }
0x5a: {  	_ =	shalt  }
0x5b: {  	_ =	shalt  }
0x5c: {  	_ =	shalt  }
0x5d: {  	_ =	shalt  }
0x5e: {  	_ =	shalt  }
0x5f: {  	_ =	shalt  }
0x60: {  	_ =	shalt  }
0x61: {  	_ =	shalt  }
0x62: {  	_ =	shalt  }
0x63: {  	_ =	shalt  }
0x64: {  	_ =	shalt  }
0x65: {  	_ =	shalt  }
0x66: {  	_ =	shalt  }
0x67: {  	_ =	shalt  }
0x68: {  	_ =	shalt  }
0x69: {  	_ =	shalt  }
0x6a: {  	_ =	shalt  }
0x6b: {  	_ =	shalt  }
0x6c: {  	_ =	shalt  }
0x6d: {  	_ =	shalt  }
0x6e: {  	_ =	shalt  }
0x6f: {  	_ =	shalt  }
0x70: {  	_ =	shalt  }
0x71: {  	_ =	shalt  }
0x72: {  	_ =	shalt  }
0x73: {  	_ =	shalt  }
0x74: {  	_ =	shalt  }
0x75: {  	_ =	shalt  }
0x76: {  	_ =	shalt  }
0x77: {  	_ =	shalt  }
0x78: {  	_ =	shalt  }
0x79: {  	_ =	shalt  }
0x7a: {  	_ =	shalt  }
0x7b: {  	_ =	shalt  }
0x7c: {  	_ =	shalt  }
0x7d: {  	_ =	shalt  }
0x7e: {  	_ =	shalt  }
0x7f: {  	_ =	shalt  }
0x80: {  	_ =	shalt  }
0x81: {  	_ =	shalt  }
0x82: {  	_ =	shalt  }
0x83: {  	_ =	shalt  }
0x84: {  	_ =	shalt  }
0x85: {  	_ =	shalt  }
0x86: {  	_ =	shalt  }
0x87: {  	_ =	shalt  }
.Lfunc_end0:
.L_simem_size_0:
called_computation_lowered:
.L_overlay_start_0:
0x88: {  	s2 =	sld [smem:$0x3FD9]  }
0x89: {  	s3 =	sld [smem:$0x3FFE];
	_ =	sdelay $0x1  }
0x8a: {  	s1 =	srdreg.scid  }
0x8b: {  	s0 =	sand.u32 $0x1, s1  }
0x8c: {  	s17 =	sshll.u32 s0, $0xA;
	s2 =	sadd.s32 s3, s2  }
0x8d: {  	s2 =	sadd.s32 s2, s17  }
0x8e: {  	[smem:$0x3FC6] =	sst s2  }
0x8f: {  	_ = 	snop  }
0x90: {  	s2 =	sld [smem:$0x3FC8];
	(tm) =	ssettm $0x1  }
0x91: {  	s18 =	sld [smem:$0x3FFB];
	_ =	sdelay $0x3  }
0x92: {  	_ =	strace s18  }
0x93: {  	s3 =	sld [smem:$0x3FFC];
	_ =	sdelay $0x3  }
0x94: {  	_ =	strace s3  }
0x95: {  	s3 =	sld [smem:$0x3FFD];
	_ =	sdelay $0x3  }
0x96: {  	_ =	strace s3  }
0x97: {  	_ =	strace $0x8FFFFFFF  }
0x98: {  	s19 =	sld [smem:$0x3FDB];
	_ =	sdelay $0x1  }
0x99: {  	s4 =	simm.s32 $_scs_section_size  }
0x9a: {  	s5 =	simm.s32 $_size__tile_overlayer_lowered;
	s6 =	simm.s32 $_tile_overlayer_lowered  }
0x9b: {  	s22 =	simm.s32 $0x1BFF;
	s21 =	sshll.u32 s6, $0x1;
	s3 =	sadd.s32 s4, s19  }
0x9c: {  	s7 =	simm.s32 $0x0;
	s20 =	sshll.u32 s5, $0x1;
	s5 =	sadd.s32 s21, s3  }
0x9d: {  	[timem:s7], [sflag:s22] =	dma.local [hbm:s5], s20  }
0x9e: {  	_ =	swait.ge [sflag:s22], s20  }
0x9f: {  	s4 =	ssub.s32 $0x0, s20;
	[sflag:s22] =	ssyncset.done $0x0  }
0xa0: {  	[sflag:s22] =	ssyncadd.s32 s4;
	_ =	sdelay $0x1  }
0xa1: {  	s23 =	simm.s32 $0x1B8B  }
0xa2: {  	_ =	swait.ge [sflag:s23], $0x1  }
0xa3: {  	[sflag:s23] =	ssyncset.done $0x0  }
0xa4: {  	s25 =	simm.s32 $0x1B8E;
	s24 =	sld [smem:$0x3FFE];
	[sflag:s23] =	ssyncadd.s32 $0xFFFFFFFF  }
0xa5: {  	s26 =	simm.s32 $execute0_lowered;
	[smem:$0x3FD2] =	sst s25  }
0xa6: {  	s5 =	sshll.u32 s26, $0x1;
	_ =	strace $0x80000046;
	[dreg:$0x1] =	wrdreg $0xFFFFFFFF  }
0xa7: {  	s28 =	simm.s32 $_size_execute0_lowered;
	s3 =	sadd.s32 s3, s5;
	[dreg:$0x0] =	wrdreg $0x0  }
0xa8: {  	s5 =	sshll.u32 s28, $0x1;
	[dreg:$0x2] =	wrdreg s3  }
0xa9: {  	[dreg:$0x3] =	wrdreg s5  }
0xaa: {  	[dreg:$0x4] =	wrdreg $0xC0  }
0xab: {  	_ =	task [dreg:s7], $0x5FFFF  }
0xac: {  	[dreg:$0x1] =	wrdreg $0xFFFFFFFF  }
0xad: {  	[dreg:$0x0] =	wrdreg $0x60  }
0xae: {  	[dreg:$0x2] =	wrdreg s24  }
0xaf: {  	[dreg:$0x3] =	wrdreg s2  }
0xb0: {  	[dreg:$0x4] =	wrdreg $0x9  }
0xb1: {  	_ =	task.clear_ibuf [dreg:s7], $0x5FFFF;
	_ =	strace $0x90000046  }
0xb2: {  	s29 =	simm.s32 $0x9;
	_ =	strace $0x80000048  }
0xb3: {  	_ =	swait.ge [sflag:s29], $0x1  }
0xb4: {  	[sflag:s29] =	ssyncadd.s32 $0xFFFFFFFF  }
0xb5: {  	_ =	strace $0x90000048  }
0xb6: {  	_ =	sfence  }
0xb7: {  	s30 =	sld [smem:$0x0];
	_ =	sdelay $0x2  }
0xb8: {  	s31 =	sshll.u32 s1, $0xD;
	s1 =	sshrl.u32 s1, $0x2  }
0xb9: {  	s3 =	sand.u32 $0x4000, s31;
	s1 =	sadd.s32 s1, s30  }
0xba: {  	s0 =	sor.u32 s3, s0;
	s1 =	sshll.u32 s1, $0x11  }
0xbb: {  	s0 =	sor.u32 s1, s0  }
0xbc: {  	s0 =	sadd.s32 $0x8F2B, s0  }
0xbd: {  	[sflag:s0] =	ssyncadd.remote.s32 $0x1  }
0xbe: {  	_ =	sfence.sel $0xFFFF  }
0xbf: {  	[dreg:$0x0] =	wrdreg $0xFFFFFFFF;
	(pc) =	sbr.abs _section_cstart, $3  }
0xc0: {  	[dreg:$0x1] =	wrdreg $0xFFFFFFFF  }
0xc1: {  	_ =	task.clear_ibuf [dreg:s7], $0x2FFFF;
	_ =	strace $0x9FFFFFFF  }
0xc2: {  	(tm) =	ssettm $0x7FFFFFFF  }
0xc3: {  	_ =	shalt  }
tec
execute0_lowered:
.L_overlay_start_1:
0x0: {  	(tag) =	ssettag $0x1  }
0x1: {  	s3 =	rddreg [dreg:$0x0]  }
0x2: {  	s13 =	rddreg [dreg:$0x1];
	s1 =	simm.s32 $0x0;
	s2 =	srdreg.scid  }
0x3: {  	s17 =	simm.s32 $0x5;
	s18 =	simm.s32 $0x4000;
	s19 =	simm.s32 $0x1  }
0x4: {  	s20 =	simm.s32 $0x3;
	s21 =	simm.s32 $0x2;
	s22 =	simm.s32 $0x4  }
0x5: {  	s23 =	simm.s32 $0x0;
	[smem:$0x7FF] =	sst s1;
	s4 =	sand.u32 $0x1, s2  }
0x6: {  	s11 =	sadd.s32 $0xC00, s3;
	s2 =	stileid.u32;
	s14 =	sadd.s32 $0x40C00, s3  }
0x7: {  	s5 =	ssub.s32 $0x2, s4;
	s7 =	sshll.u32 s2, $0xE;
	s4 =	sshll.u32 s4, $0xD  }
0x8: {  	_ =	strace $0x80000047;
	s6 =	sshrl.u32 s5, $0x1;
	s9 =	sor.u32 s4, s7  }
0x9: {  	s15 =	ssub.s32 s5, s6;
	s3 =	sadd.s32 s11, s9;
	s4 =	sadd.s32 s13, s9  }
0xa: {  	s10 =	sor.u32 $0x800, s9;
	s6 =	sadd.s32 s14, s9;
	s12 =	sor.u32 $0x1000, s9  }
0xb: {  	s16 =	sor.u32 $0x1800, s9;
	s5 =	sadd.s32 s11, s10;
	s7 =	sadd.s32 s13, s10  }
0xc: {  	s8 =	sadd.s32 s11, s12;
	s9 =	sadd.s32 s14, s10;
	s10 =	sadd.s32 s13, s12  }
0xd: {  	s11 =	sadd.s32 s11, s16;
	s12 =	sadd.s32 s14, s12;
	s13 =	sadd.s32 s13, s16  }
0xe: {  	s14 =	sadd.s32 s14, s16;
	s15 =	smax.u32 s15, $0x1;
	s16 =	simm.s32 $0x8000  }
.LBB2_1:
0xf: {  	[tilespmem:s1], [sflag:$0x1] =	stream.linear.gather [hbm4b:s3+s1], $0x4000, $0x38;
	[tilespmem:$0xC000] =	vst v63  }
0x10: {  	_ = 	snop  }
0x11: {  	[tilespmem:s16], [sflag:$0x5] =	stream.linear.gather [hbm4b:s4+s1], $0x4000, $0x38;
	[tilespmem:$0xC000] =	vst v63  }
0x12: {  	_ =	swait.ge [sflag:s17], $0x4000  }
0x13: {  	[sflag:s17] =	ssyncset.done $0x0  }
0x14: {  	[sflag:s17] =	ssyncadd.s32 $0xFFFFC000  }
0x15: {  	[tilespmem:s18], [sflag:$0x2] =	stream.linear.gather [hbm4b:s5+s1], $0x4000, $0x38;
	[tilespmem:$0xC000] =	vst v63  }
0x16: {  	_ =	swait.ge [sflag:s19], $0x4000  }
0x17: {  	s24 =	sand.u32 $0x70, s1;
	s25 =	sand.u32 $0x1C00, s1;
	[sflag:s19] =	ssyncset.done $0x0  }
0x18: {  	s24 =	sor.u32 s24, s25;
	[sflag:s19] =	ssyncadd.s32 $0xFFFFC000  }
0x19: {  	v0 =	vld [tilespmem:s24+$0x180]  }
0x1a: {  	v1 =	vld [tilespmem:s24+$0x0]  }
0x1b: {  	v2 =	vld [tilespmem:s24+$0x300]  }
0x1c: {  	v3 =	vld [tilespmem:s24+$0x200]  }
0x1d: {  	v4 =	vld [tilespmem:s24+$0x100]  }
0x1e: {  	v5 =	vld [tilespmem:s24+$0x280]  }
0x1f: {  	v6 =	vld [tilespmem:s24+$0x80]  }
0x20: {  	v7 =	vld [tilespmem:s24+$0x8080]  }
0x21: {  	s26 =	simm.s32 $0x10;
	s28 =	simm.s32 $0x0;
	s25 =	sor.u32 s1, s1;
	v8 =	vld [tilespmem:s24+$0x8280]  }
.LBB2_2:
0x22: {  	p0 =	sne.s32 s26, $0x3F0  }
0x23: {  	v9 =	vld [tilespmem:s24+$0x8180];
	s28 =	sadd.s32 $0x80, s28;
	s30 =	smov.u32 s26;
	s26 =	sadd.s32 $0x10, s26  }
0x24: {  	s29 =	sor.u32 s30, s28;
	v10 =	vld [tilespmem:s24+$0x8100]  }
0x25: {  	v11 =	vld [tilespmem:s24+$0x8200]  }
0x26: {  	v12 =	vld [tilespmem:s24+$0x8300]  }
0x27: {  	v6 =	vadd.f32 v7, v6;
	v13 =	vld [tilespmem:s24+$0x8000];
	v5 =	vadd.f32 v8, v5  }
0x28: {  	v0 =	vadd.f32 v9, v0  }
0x29: {  	v4 =	vadd.f32 v10, v4;
	[tilespmem:s24+$0x280] =	vst v5  }
0x2a: {  	[tilespmem:s24+$0x180] =	vst v0;
	v0 =	vadd.f32 v11, v3  }
0x2b: {  	[tilespmem:s24+$0x80] =	vst v6;
	v2 =	vadd.f32 v12, v2  }
0x2c: {  	v1 =	vadd.f32 v13, v1;
	[tilespmem:s24+$0x100] =	vst v4  }
0x2d: {  	[tilespmem:s24+$0x300] =	vst v2  }
0x2e: {  	[tilespmem:s24+$0x200] =	vst v0  }
0x2f: {  	s31 =	sor.u32 $0x380, s25;
	[tilespmem:s24+$0x0] =	vst v1  }
0x30: {  	v0 =	vld [tilespmem:s31+$0x0]  }
0x31: {  	v1 =	vld [tilespmem:s31+$0x8000];
	_ =	sdelay $0x4  }
0x32: {  	v0 =	vadd.f32 v1, v0;
	_ =	sdelay $0x1  }
0x33: {  	s30 =	sand.u32 $0x70, s30;
	s0 =	sand.u32 $0x1C00, s28;
	[tilespmem:s31+$0x0] =	vst v0  }
0x34: {  	s0 =	sor.u32 s30, s0;
	v0 =	vld [tilespmem:s24+$0x2000]  }
0x35: {  	v1 =	vld [tilespmem:s24+$0xA000]  }
0x36: {  	v2 =	vld [tilespmem:s24+$0x2080]  }
0x37: {  	v3 =	vld [tilespmem:s24+$0xA080]  }
0x38: {  	v4 =	vld [tilespmem:s24+$0xA300]  }
0x39: {  	v5 =	vld [tilespmem:s24+$0x2300]  }
0x3a: {  	v0 =	vadd.f32 v1, v0;
	v1 =	vld [tilespmem:s24+$0xA280]  }
0x3b: {  	v6 =	vld [tilespmem:s24+$0xA180]  }
0x3c: {  	[tilespmem:s24+$0x2000] =	vst v0;
	v0 =	vadd.f32 v3, v2;
	v2 =	vld [tilespmem:s24+$0xA200]  }
0x3d: {  	v3 =	vld [tilespmem:s24+$0x2280]  }
0x3e: {  	[tilespmem:s24+$0x2080] =	vst v0;
	v7 =	vld [tilespmem:s24+$0x2200];
	v0 =	vadd.f32 v4, v5  }
0x3f: {  	v4 =	vld [tilespmem:s24+$0x2180]  }
0x40: {  	v5 =	vld [tilespmem:s24+$0xA100];
	[tilespmem:s24+$0x2300] =	vst v0  }
0x41: {  	v8 =	vld [tilespmem:s24+$0x2100]  }
0x42: {  	v0 =	vld [tilespmem:s0+$0x180];
	v1 =	vadd.f32 v1, v3  }
0x43: {  	v2 =	vadd.f32 v2, v7  }
0x44: {  	v3 =	vadd.f32 v6, v4;
	[tilespmem:s24+$0x2280] =	vst v1  }
0x45: {  	[tilespmem:s24+$0x2200] =	vst v2  }
0x46: {  	v1 =	vadd.f32 v5, v8  }
0x47: {  	[tilespmem:s24+$0x2180] =	vst v3  }
0x48: {  	s30 =	sor.u32 $0x2380, s25;
	s25 =	smov.u32 s29;
	[tilespmem:s24+$0x2100] =	vst v1;
	s24 =	smov.u32 s0  }
0x49: {  	v5 =	vld [tilespmem:s30+$0x0]  }
0x4a: {  	v6 =	vld [tilespmem:s30+$0x8000];
	_ =	sdelay $0x1  }
0x4b: {  	v1 =	vld [tilespmem:s24+$0x0]  }
0x4c: {  	v2 =	vld [tilespmem:s24+$0x300]  }
0x4d: {  	v3 =	vld [tilespmem:s24+$0x200]  }
.Ltmp0:
0x4e: {  	v4 =	vld [tilespmem:s24+$0x100];
	v7 =	vadd.f32 v6, v5;
	(pc) =	sbr.rel @p0 .LBB2_2-.Ltmp0, $4  }
0x4f: {  	v5 =	vld [tilespmem:s24+$0x280]  }
0x50: {  	v6 =	vld [tilespmem:s24+$0x80];
	[tilespmem:s30+$0x0] =	vst v7  }
0x51: {  	v7 =	vld [tilespmem:s24+$0x8080]  }
0x52: {  	v8 =	vld [tilespmem:s24+$0x8280]  }
0x53: {  	v9 =	vld [tilespmem:s24+$0x8180]  }
0x54: {  	v10 =	vld [tilespmem:s24+$0x8100]  }
0x55: {  	v11 =	vld [tilespmem:s24+$0x8300]  }
0x56: {  	v12 =	vld [tilespmem:s24+$0x8200];
	v6 =	vadd.f32 v7, v6  }
0x57: {  	v5 =	vadd.f32 v8, v5;
	v8 =	vld [tilespmem:s24+$0x8000]  }
0x58: {  	v0 =	vadd.f32 v9, v0;
	[tilespmem:s24+$0x80] =	vst v6  }
0x59: {  	v4 =	vadd.f32 v10, v4;
	[tilespmem:s24+$0x280] =	vst v5  }
0x5a: {  	[tilespmem:s24+$0x180] =	vst v0;
	v0 =	vadd.f32 v11, v2  }
0x5b: {  	v2 =	vadd.f32 v12, v3;
	[tilespmem:s24+$0x100] =	vst v4  }
0x5c: {  	v1 =	vadd.f32 v8, v1;
	[tilespmem:s24+$0x300] =	vst v0  }
0x5d: {  	[tilespmem:s24+$0x200] =	vst v2  }
0x5e: {  	s0 =	sor.u32 $0x380, s25;
	[tilespmem:s24+$0x0] =	vst v1  }
0x5f: {  	v0 =	vld [tilespmem:s0+$0x0]  }
0x60: {  	v1 =	vld [tilespmem:s0+$0x8000];
	_ =	sdelay $0x4  }
0x61: {  	v0 =	vadd.f32 v1, v0;
	_ =	sdelay $0x1  }
0x62: {  	[tilespmem:s0+$0x0] =	vst v0  }
0x63: {  	v0 =	vld [tilespmem:s24+$0x2000]  }
0x64: {  	v1 =	vld [tilespmem:s24+$0xA000]  }
0x65: {  	v2 =	vld [tilespmem:s24+$0x2080]  }
0x66: {  	v3 =	vld [tilespmem:s24+$0xA080]  }
0x67: {  	v4 =	vld [tilespmem:s24+$0xA300]  }
0x68: {  	v5 =	vld [tilespmem:s24+$0xA180]  }
0x69: {  	v6 =	vld [tilespmem:s24+$0x2300]  }
0x6a: {  	v7 =	vld [tilespmem:s24+$0x2200]  }
0x6b: {  	v8 =	vld [tilespmem:s24+$0xA100]  }
0x6c: {  	v0 =	vadd.f32 v1, v0;
	v1 =	vld [tilespmem:s24+$0xA280]  }
0x6d: {  	v2 =	vadd.f32 v3, v2;
	v3 =	vld [tilespmem:s24+$0x2280]  }
0x6e: {  	[tilespmem:s24+$0x2000] =	vst v0;
	v0 =	vld [tilespmem:s24+$0xA200]  }
0x6f: {  	[tilespmem:s24+$0x2080] =	vst v2;
	v2 =	vld [tilespmem:s24+$0x2180]  }
0x70: {  	v9 =	vld [tilespmem:s24+$0x2100]  }
0x71: {  	v4 =	vadd.f32 v4, v6  }
0x72: {  	v1 =	vadd.f32 v1, v3  }
0x73: {  	[tilespmem:s24+$0x2300] =	vst v4;
	v0 =	vadd.f32 v0, v7  }
0x74: {  	v2 =	vadd.f32 v5, v2;
	[tilespmem:s24+$0x2280] =	vst v1  }
0x75: {  	[tilespmem:s24+$0x2200] =	vst v0;
	v0 =	vadd.f32 v8, v9  }
0x76: {  	[tilespmem:s24+$0x2180] =	vst v2  }
0x77: {  	s29 =	sor.u32 $0x2380, s25;
	[tilespmem:s24+$0x2100] =	vst v0  }
0x78: {  	v0 =	vld [tilespmem:s29+$0x0]  }
0x79: {  	v1 =	vld [tilespmem:s29+$0x8000];
	_ =	sdelay $0x4  }
0x7a: {  	v0 =	vadd.f32 v1, v0;
	_ =	sdelay $0x1  }
0x7b: {  	s26 =	simm.s32 $0x0;
	[tilespmem:s29+$0x0] =	vst v0  }
0x7c: {  	[hbm4b:s6+s26] =	stream.linear.scatter [tilespmem:s26], [sflag:$0x3], $0x4000, $0x38;
	[tilespmem:$0xC000] =	vst v63  }
0x7d: {  	_ = 	snop  }
0x7e: {  	[tilespmem:s16], [sflag:$0x5] =	stream.linear.gather [hbm4b:s7+s26], $0x4000, $0x38;
	[tilespmem:$0xC000] =	vst v63  }
0x7f: {  	_ =	swait.ge [sflag:s17], $0x4000  }
0x80: {  	[sflag:s17] =	ssyncset.done $0x0  }
0x81: {  	[sflag:s17] =	ssyncadd.s32 $0xFFFFC000  }
0x82: {  	_ =	swait.ge [sflag:s20], $0x4000  }
0x83: {  	[sflag:s20] =	ssyncset.done $0x0  }
0x84: {  	[sflag:s20] =	ssyncadd.s32 $0xFFFFC000  }
0x85: {  	[tilespmem:s26], [sflag:$0x1] =	stream.linear.gather [hbm4b:s8+s26], $0x4000, $0x38;
	[tilespmem:$0xC000] =	vst v63  }
0x86: {  	_ =	swait.ge [sflag:s21], $0x4000  }
0x87: {  	s30 =	sand.u32 $0x70, s26;
	s31 =	sand.u32 $0x1C00, s26;
	[sflag:s21] =	ssyncset.done $0x0  }
0x88: {  	s24 =	sor.u32 s30, s31;
	[sflag:s21] =	ssyncadd.s32 $0xFFFFC000  }
0x89: {  	v0 =	vld [tilespmem:s24+$0x4180]  }
0x8a: {  	v1 =	vld [tilespmem:s24+$0x4000]  }
0x8b: {  	v2 =	vld [tilespmem:s24+$0x4300]  }
0x8c: {  	v3 =	vld [tilespmem:s24+$0x4200]  }
0x8d: {  	v4 =	vld [tilespmem:s24+$0x4100]  }
0x8e: {  	v5 =	vld [tilespmem:s24+$0x4280]  }
0x8f: {  	v6 =	vld [tilespmem:s24+$0x4080]  }
0x90: {  	v7 =	vld [tilespmem:s24+$0x8080]  }
0x91: {  	s28 =	simm.s32 $0x10;
	s25 =	sor.u32 s26, s26;
	v8 =	vld [tilespmem:s24+$0x8280]  }
.LBB2_4:
0x92: {  	p0 =	sne.s32 s28, $0x3F0  }
0x93: {  	v9 =	vld [tilespmem:s24+$0x8180];
	s26 =	sadd.s32 $0x80, s26;
	s0 =	smov.u32 s28;
	s28 =	sadd.s32 $0x10, s28  }
0x94: {  	s29 =	sor.u32 s0, s26;
	v10 =	vld [tilespmem:s24+$0x8100]  }
0x95: {  	v11 =	vld [tilespmem:s24+$0x8200]  }
0x96: {  	v12 =	vld [tilespmem:s24+$0x8300]  }
0x97: {  	v6 =	vadd.f32 v7, v6;
	v13 =	vld [tilespmem:s24+$0x8000];
	v5 =	vadd.f32 v8, v5  }
0x98: {  	v0 =	vadd.f32 v9, v0  }
0x99: {  	v4 =	vadd.f32 v10, v4;
	[tilespmem:s24+$0x4280] =	vst v5  }
0x9a: {  	[tilespmem:s24+$0x4180] =	vst v0;
	v0 =	vadd.f32 v11, v3  }
0x9b: {  	[tilespmem:s24+$0x4080] =	vst v6;
	v2 =	vadd.f32 v12, v2  }
0x9c: {  	v1 =	vadd.f32 v13, v1;
	[tilespmem:s24+$0x4100] =	vst v4  }
0x9d: {  	[tilespmem:s24+$0x4300] =	vst v2  }
0x9e: {  	[tilespmem:s24+$0x4200] =	vst v0  }
0x9f: {  	s30 =	sor.u32 $0x380, s25;
	[tilespmem:s24+$0x4000] =	vst v1  }
0xa0: {  	v0 =	vld [tilespmem:s30+$0x4000]  }
0xa1: {  	v1 =	vld [tilespmem:s30+$0x8000];
	_ =	sdelay $0x4  }
0xa2: {  	v0 =	vadd.f32 v1, v0;
	_ =	sdelay $0x1  }
0xa3: {  	s0 =	sand.u32 $0x70, s0;
	s31 =	sand.u32 $0x1C00, s26;
	[tilespmem:s30+$0x4000] =	vst v0  }
0xa4: {  	s0 =	sor.u32 s0, s31;
	v0 =	vld [tilespmem:s24+$0x6000]  }
0xa5: {  	v1 =	vld [tilespmem:s24+$0xA000]  }
0xa6: {  	v2 =	vld [tilespmem:s24+$0x6080]  }
0xa7: {  	v3 =	vld [tilespmem:s24+$0xA080]  }
0xa8: {  	v4 =	vld [tilespmem:s24+$0xA300]  }
0xa9: {  	v5 =	vld [tilespmem:s24+$0x6300]  }
0xaa: {  	v0 =	vadd.f32 v1, v0;
	v1 =	vld [tilespmem:s24+$0xA280]  }
0xab: {  	v6 =	vld [tilespmem:s24+$0xA180]  }
0xac: {  	[tilespmem:s24+$0x6000] =	vst v0;
	v0 =	vadd.f32 v3, v2;
	v2 =	vld [tilespmem:s24+$0xA200]  }
0xad: {  	v3 =	vld [tilespmem:s24+$0x6280]  }
0xae: {  	[tilespmem:s24+$0x6080] =	vst v0;
	v7 =	vld [tilespmem:s24+$0x6200];
	v0 =	vadd.f32 v4, v5  }
0xaf: {  	v4 =	vld [tilespmem:s24+$0x6180]  }
0xb0: {  	v5 =	vld [tilespmem:s24+$0xA100];
	[tilespmem:s24+$0x6300] =	vst v0  }
0xb1: {  	v8 =	vld [tilespmem:s24+$0x6100]  }
0xb2: {  	v0 =	vld [tilespmem:s0+$0x4180];
	v1 =	vadd.f32 v1, v3  }
0xb3: {  	v2 =	vadd.f32 v2, v7  }
0xb4: {  	v3 =	vadd.f32 v6, v4;
	[tilespmem:s24+$0x6280] =	vst v1  }
0xb5: {  	[tilespmem:s24+$0x6200] =	vst v2  }
0xb6: {  	v1 =	vadd.f32 v5, v8  }
0xb7: {  	[tilespmem:s24+$0x6180] =	vst v3  }
0xb8: {  	s30 =	sor.u32 $0x2380, s25;
	s25 =	smov.u32 s29;
	[tilespmem:s24+$0x6100] =	vst v1;
	s24 =	smov.u32 s0  }
0xb9: {  	v5 =	vld [tilespmem:s30+$0x4000]  }
0xba: {  	v6 =	vld [tilespmem:s30+$0x8000];
	_ =	sdelay $0x1  }
0xbb: {  	v1 =	vld [tilespmem:s24+$0x4000]  }
0xbc: {  	v2 =	vld [tilespmem:s24+$0x4300]  }
0xbd: {  	v3 =	vld [tilespmem:s24+$0x4200]  }
.Ltmp1:
0xbe: {  	v4 =	vld [tilespmem:s24+$0x4100];
	v7 =	vadd.f32 v6, v5;
	(pc) =	sbr.rel @p0 .LBB2_4-.Ltmp1, $4  }
0xbf: {  	v5 =	vld [tilespmem:s24+$0x4280]  }
0xc0: {  	v6 =	vld [tilespmem:s24+$0x4080];
	[tilespmem:s30+$0x4000] =	vst v7  }
0xc1: {  	v7 =	vld [tilespmem:s24+$0x8080]  }
0xc2: {  	v8 =	vld [tilespmem:s24+$0x8280]  }
0xc3: {  	v9 =	vld [tilespmem:s24+$0x8180]  }
0xc4: {  	v10 =	vld [tilespmem:s24+$0x8100]  }
0xc5: {  	v11 =	vld [tilespmem:s24+$0x8300]  }
0xc6: {  	v12 =	vld [tilespmem:s24+$0x8200];
	v6 =	vadd.f32 v7, v6  }
0xc7: {  	v5 =	vadd.f32 v8, v5;
	v8 =	vld [tilespmem:s24+$0x8000]  }
0xc8: {  	v0 =	vadd.f32 v9, v0;
	[tilespmem:s24+$0x4080] =	vst v6  }
0xc9: {  	v4 =	vadd.f32 v10, v4;
	[tilespmem:s24+$0x4280] =	vst v5  }
0xca: {  	[tilespmem:s24+$0x4180] =	vst v0;
	v0 =	vadd.f32 v11, v2  }
0xcb: {  	v2 =	vadd.f32 v12, v3;
	[tilespmem:s24+$0x4100] =	vst v4  }
0xcc: {  	v1 =	vadd.f32 v8, v1;
	[tilespmem:s24+$0x4300] =	vst v0  }
0xcd: {  	[tilespmem:s24+$0x4200] =	vst v2  }
0xce: {  	s0 =	sor.u32 $0x380, s25;
	[tilespmem:s24+$0x4000] =	vst v1  }
0xcf: {  	v0 =	vld [tilespmem:s0+$0x4000]  }
0xd0: {  	v1 =	vld [tilespmem:s0+$0x8000];
	_ =	sdelay $0x4  }
0xd1: {  	v0 =	vadd.f32 v1, v0;
	_ =	sdelay $0x1  }
0xd2: {  	[tilespmem:s0+$0x4000] =	vst v0  }
0xd3: {  	v0 =	vld [tilespmem:s24+$0x6000]  }
0xd4: {  	v1 =	vld [tilespmem:s24+$0xA000]  }
0xd5: {  	v2 =	vld [tilespmem:s24+$0x6080]  }
0xd6: {  	v3 =	vld [tilespmem:s24+$0xA080]  }
0xd7: {  	v4 =	vld [tilespmem:s24+$0xA300]  }
0xd8: {  	v5 =	vld [tilespmem:s24+$0xA180]  }
0xd9: {  	v6 =	vld [tilespmem:s24+$0x6300]  }
0xda: {  	v7 =	vld [tilespmem:s24+$0x6200]  }
0xdb: {  	v8 =	vld [tilespmem:s24+$0xA100]  }
0xdc: {  	v0 =	vadd.f32 v1, v0;
	v1 =	vld [tilespmem:s24+$0xA280]  }
0xdd: {  	v2 =	vadd.f32 v3, v2;
	v3 =	vld [tilespmem:s24+$0x6280]  }
0xde: {  	[tilespmem:s24+$0x6000] =	vst v0;
	v0 =	vld [tilespmem:s24+$0xA200]  }
0xdf: {  	[tilespmem:s24+$0x6080] =	vst v2;
	v2 =	vld [tilespmem:s24+$0x6180]  }
0xe0: {  	v9 =	vld [tilespmem:s24+$0x6100]  }
0xe1: {  	v4 =	vadd.f32 v4, v6  }
0xe2: {  	v1 =	vadd.f32 v1, v3  }
0xe3: {  	[tilespmem:s24+$0x6300] =	vst v4;
	v0 =	vadd.f32 v0, v7  }
0xe4: {  	v2 =	vadd.f32 v5, v2;
	[tilespmem:s24+$0x6280] =	vst v1  }
0xe5: {  	[tilespmem:s24+$0x6200] =	vst v0;
	v0 =	vadd.f32 v8, v9  }
0xe6: {  	[tilespmem:s24+$0x6180] =	vst v2  }
0xe7: {  	s29 =	sor.u32 $0x2380, s25;
	[tilespmem:s24+$0x6100] =	vst v0  }
0xe8: {  	v0 =	vld [tilespmem:s29+$0x4000]  }
0xe9: {  	v1 =	vld [tilespmem:s29+$0x8000];
	_ =	sdelay $0x4  }
0xea: {  	v0 =	vadd.f32 v1, v0;
	_ =	sdelay $0x1  }
0xeb: {  	s26 =	simm.s32 $0x0;
	[tilespmem:s29+$0x4000] =	vst v0  }
0xec: {  	[hbm4b:s9+s26] =	stream.linear.scatter [tilespmem:s18], [sflag:$0x4], $0x4000, $0x38;
	[tilespmem:$0xC000] =	vst v63  }
0xed: {  	_ = 	snop  }
0xee: {  	[tilespmem:s16], [sflag:$0x5] =	stream.linear.gather [hbm4b:s10+s26], $0x4000, $0x38;
	[tilespmem:$0xC000] =	vst v63  }
0xef: {  	_ =	swait.ge [sflag:s17], $0x4000  }
0xf0: {  	[sflag:s17] =	ssyncset.done $0x0  }
0xf1: {  	[sflag:s17] =	ssyncadd.s32 $0xFFFFC000  }
0xf2: {  	_ =	swait.ge [sflag:s22], $0x4000  }
0xf3: {  	[sflag:s22] =	ssyncset.done $0x0  }
0xf4: {  	[sflag:s22] =	ssyncadd.s32 $0xFFFFC000  }
0xf5: {  	[tilespmem:s18], [sflag:$0x2] =	stream.linear.gather [hbm4b:s11+s26], $0x4000, $0x38;
	[tilespmem:$0xC000] =	vst v63  }
0xf6: {  	_ =	swait.ge [sflag:s19], $0x4000  }
0xf7: {  	s30 =	sand.u32 $0x70, s26;
	s31 =	sand.u32 $0x1C00, s26;
	[sflag:s19] =	ssyncset.done $0x0  }
0xf8: {  	s24 =	sor.u32 s30, s31;
	[sflag:s19] =	ssyncadd.s32 $0xFFFFC000  }
0xf9: {  	v0 =	vld [tilespmem:s24+$0x180]  }
0xfa: {  	v1 =	vld [tilespmem:s24+$0x0]  }
0xfb: {  	v2 =	vld [tilespmem:s24+$0x300]  }
0xfc: {  	v3 =	vld [tilespmem:s24+$0x200]  }
0xfd: {  	v4 =	vld [tilespmem:s24+$0x100]  }
0xfe: {  	v5 =	vld [tilespmem:s24+$0x280]  }
0xff: {  	v6 =	vld [tilespmem:s24+$0x80]  }
0x100: {  	v7 =	vld [tilespmem:s24+$0x8080]  }
0x101: {  	s28 =	simm.s32 $0x10;
	s25 =	sor.u32 s26, s26;
	v8 =	vld [tilespmem:s24+$0x8280]  }
.LBB2_6:
0x102: {  	p0 =	sne.s32 s28, $0x3F0  }
0x103: {  	v9 =	vld [tilespmem:s24+$0x8180];
	s26 =	sadd.s32 $0x80, s26;
	s0 =	smov.u32 s28;
	s28 =	sadd.s32 $0x10, s28  }
0x104: {  	s29 =	sor.u32 s0, s26;
	v10 =	vld [tilespmem:s24+$0x8100]  }
0x105: {  	v11 =	vld [tilespmem:s24+$0x8200]  }
0x106: {  	v12 =	vld [tilespmem:s24+$0x8300]  }
0x107: {  	v6 =	vadd.f32 v7, v6;
	v13 =	vld [tilespmem:s24+$0x8000];
	v5 =	vadd.f32 v8, v5  }
0x108: {  	v0 =	vadd.f32 v9, v0  }
0x109: {  	v4 =	vadd.f32 v10, v4;
	[tilespmem:s24+$0x280] =	vst v5  }
0x10a: {  	[tilespmem:s24+$0x180] =	vst v0;
	v0 =	vadd.f32 v11, v3  }
0x10b: {  	[tilespmem:s24+$0x80] =	vst v6;
	v2 =	vadd.f32 v12, v2  }
0x10c: {  	v1 =	vadd.f32 v13, v1;
	[tilespmem:s24+$0x100] =	vst v4  }
0x10d: {  	[tilespmem:s24+$0x300] =	vst v2  }
0x10e: {  	[tilespmem:s24+$0x200] =	vst v0  }
0x10f: {  	s30 =	sor.u32 $0x380, s25;
	[tilespmem:s24+$0x0] =	vst v1  }
0x110: {  	v0 =	vld [tilespmem:s30+$0x0]  }
0x111: {  	v1 =	vld [tilespmem:s30+$0x8000];
	_ =	sdelay $0x4  }
0x112: {  	v0 =	vadd.f32 v1, v0;
	_ =	sdelay $0x1  }
0x113: {  	s0 =	sand.u32 $0x70, s0;
	s31 =	sand.u32 $0x1C00, s26;
	[tilespmem:s30+$0x0] =	vst v0  }
0x114: {  	s0 =	sor.u32 s0, s31;
	v0 =	vld [tilespmem:s24+$0x2000]  }
0x115: {  	v1 =	vld [tilespmem:s24+$0xA000]  }
0x116: {  	v2 =	vld [tilespmem:s24+$0x2080]  }
0x117: {  	v3 =	vld [tilespmem:s24+$0xA080]  }
0x118: {  	v4 =	vld [tilespmem:s24+$0xA300]  }
0x119: {  	v5 =	vld [tilespmem:s24+$0x2300]  }
0x11a: {  	v0 =	vadd.f32 v1, v0;
	v1 =	vld [tilespmem:s24+$0xA280]  }
0x11b: {  	v6 =	vld [tilespmem:s24+$0xA180]  }
0x11c: {  	[tilespmem:s24+$0x2000] =	vst v0;
	v0 =	vadd.f32 v3, v2;
	v2 =	vld [tilespmem:s24+$0xA200]  }
0x11d: {  	v3 =	vld [tilespmem:s24+$0x2280]  }
0x11e: {  	[tilespmem:s24+$0x2080] =	vst v0;
	v7 =	vld [tilespmem:s24+$0x2200];
	v0 =	vadd.f32 v4, v5  }
0x11f: {  	v4 =	vld [tilespmem:s24+$0x2180]  }
0x120: {  	v5 =	vld [tilespmem:s24+$0xA100];
	[tilespmem:s24+$0x2300] =	vst v0  }
0x121: {  	v8 =	vld [tilespmem:s24+$0x2100]  }
0x122: {  	v0 =	vld [tilespmem:s0+$0x180];
	v1 =	vadd.f32 v1, v3  }
0x123: {  	v2 =	vadd.f32 v2, v7  }
0x124: {  	v3 =	vadd.f32 v6, v4;
	[tilespmem:s24+$0x2280] =	vst v1  }
0x125: {  	[tilespmem:s24+$0x2200] =	vst v2  }
0x126: {  	v1 =	vadd.f32 v5, v8  }
0x127: {  	[tilespmem:s24+$0x2180] =	vst v3  }
0x128: {  	s30 =	sor.u32 $0x2380, s25;
	s25 =	smov.u32 s29;
	[tilespmem:s24+$0x2100] =	vst v1;
	s24 =	smov.u32 s0  }
0x129: {  	v5 =	vld [tilespmem:s30+$0x0]  }
0x12a: {  	v6 =	vld [tilespmem:s30+$0x8000];
	_ =	sdelay $0x1  }
0x12b: {  	v1 =	vld [tilespmem:s24+$0x0]  }
0x12c: {  	v2 =	vld [tilespmem:s24+$0x300]  }
0x12d: {  	v3 =	vld [tilespmem:s24+$0x200]  }
.Ltmp2:
0x12e: {  	v4 =	vld [tilespmem:s24+$0x100];
	v7 =	vadd.f32 v6, v5;
	(pc) =	sbr.rel @p0 .LBB2_6-.Ltmp2, $4  }
0x12f: {  	v5 =	vld [tilespmem:s24+$0x280]  }
0x130: {  	v6 =	vld [tilespmem:s24+$0x80];
	[tilespmem:s30+$0x0] =	vst v7  }
0x131: {  	v7 =	vld [tilespmem:s24+$0x8080]  }
0x132: {  	v8 =	vld [tilespmem:s24+$0x8280]  }
0x133: {  	v9 =	vld [tilespmem:s24+$0x8180]  }
0x134: {  	v10 =	vld [tilespmem:s24+$0x8100]  }
0x135: {  	v11 =	vld [tilespmem:s24+$0x8300]  }
0x136: {  	v12 =	vld [tilespmem:s24+$0x8200];
	v6 =	vadd.f32 v7, v6  }
0x137: {  	v5 =	vadd.f32 v8, v5;
	v8 =	vld [tilespmem:s24+$0x8000]  }
0x138: {  	v0 =	vadd.f32 v9, v0;
	[tilespmem:s24+$0x80] =	vst v6  }
0x139: {  	v4 =	vadd.f32 v10, v4;
	[tilespmem:s24+$0x280] =	vst v5  }
0x13a: {  	[tilespmem:s24+$0x180] =	vst v0;
	v0 =	vadd.f32 v11, v2  }
0x13b: {  	v2 =	vadd.f32 v12, v3;
	[tilespmem:s24+$0x100] =	vst v4  }
0x13c: {  	v1 =	vadd.f32 v8, v1;
	[tilespmem:s24+$0x300] =	vst v0  }
0x13d: {  	[tilespmem:s24+$0x200] =	vst v2  }
0x13e: {  	s0 =	sor.u32 $0x380, s25;
	[tilespmem:s24+$0x0] =	vst v1  }
0x13f: {  	v0 =	vld [tilespmem:s0+$0x0]  }
0x140: {  	v1 =	vld [tilespmem:s0+$0x8000];
	_ =	sdelay $0x4  }
0x141: {  	v0 =	vadd.f32 v1, v0;
	_ =	sdelay $0x1  }
0x142: {  	[tilespmem:s0+$0x0] =	vst v0  }
0x143: {  	v0 =	vld [tilespmem:s24+$0x2000]  }
0x144: {  	v1 =	vld [tilespmem:s24+$0xA000]  }
0x145: {  	v2 =	vld [tilespmem:s24+$0x2080]  }
0x146: {  	v3 =	vld [tilespmem:s24+$0xA080]  }
0x147: {  	v4 =	vld [tilespmem:s24+$0xA300]  }
0x148: {  	v5 =	vld [tilespmem:s24+$0xA180]  }
0x149: {  	v6 =	vld [tilespmem:s24+$0x2300]  }
0x14a: {  	v7 =	vld [tilespmem:s24+$0x2200]  }
0x14b: {  	v8 =	vld [tilespmem:s24+$0xA100]  }
0x14c: {  	v0 =	vadd.f32 v1, v0;
	v1 =	vld [tilespmem:s24+$0xA280]  }
0x14d: {  	v2 =	vadd.f32 v3, v2;
	v3 =	vld [tilespmem:s24+$0x2280]  }
0x14e: {  	[tilespmem:s24+$0x2000] =	vst v0;
	v0 =	vld [tilespmem:s24+$0xA200]  }
0x14f: {  	[tilespmem:s24+$0x2080] =	vst v2;
	v2 =	vld [tilespmem:s24+$0x2180]  }
0x150: {  	v9 =	vld [tilespmem:s24+$0x2100]  }
0x151: {  	v4 =	vadd.f32 v4, v6  }
0x152: {  	v1 =	vadd.f32 v1, v3  }
0x153: {  	[tilespmem:s24+$0x2300] =	vst v4;
	v0 =	vadd.f32 v0, v7  }
0x154: {  	v2 =	vadd.f32 v5, v2;
	[tilespmem:s24+$0x2280] =	vst v1  }
0x155: {  	[tilespmem:s24+$0x2200] =	vst v0;
	v0 =	vadd.f32 v8, v9  }
0x156: {  	[tilespmem:s24+$0x2180] =	vst v2  }
0x157: {  	s29 =	sor.u32 $0x2380, s25;
	[tilespmem:s24+$0x2100] =	vst v0  }
0x158: {  	v0 =	vld [tilespmem:s29+$0x0]  }
0x159: {  	v1 =	vld [tilespmem:s29+$0x8000];
	_ =	sdelay $0x4  }
0x15a: {  	v0 =	vadd.f32 v1, v0;
	_ =	sdelay $0x1  }
0x15b: {  	s26 =	simm.s32 $0x0;
	[tilespmem:s29+$0x0] =	vst v0  }
0x15c: {  	[hbm4b:s12+s26] =	stream.linear.scatter [tilespmem:s26], [sflag:$0x3], $0x4000, $0x38;
	[tilespmem:$0xC000] =	vst v63  }
0x15d: {  	_ = 	snop  }
0x15e: {  	[tilespmem:s16], [sflag:$0x5] =	stream.linear.gather [hbm4b:s13+s26], $0x4000, $0x38;
	[tilespmem:$0xC000] =	vst v63  }
0x15f: {  	_ =	swait.ge [sflag:s17], $0x4000  }
0x160: {  	[sflag:s17] =	ssyncset.done $0x0  }
0x161: {  	[sflag:s17] =	ssyncadd.s32 $0xFFFFC000  }
0x162: {  	_ =	swait.ge [sflag:s21], $0x4000  }
0x163: {  	s30 =	sand.u32 $0x70, s26;
	s31 =	sand.u32 $0x1C00, s26;
	[sflag:s21] =	ssyncset.done $0x0  }
0x164: {  	s24 =	sor.u32 s30, s31;
	[sflag:s21] =	ssyncadd.s32 $0xFFFFC000  }
0x165: {  	v0 =	vld [tilespmem:s24+$0x4180]  }
0x166: {  	v1 =	vld [tilespmem:s24+$0x4000]  }
0x167: {  	v2 =	vld [tilespmem:s24+$0x4300]  }
0x168: {  	v3 =	vld [tilespmem:s24+$0x4200]  }
0x169: {  	v4 =	vld [tilespmem:s24+$0x4100]  }
0x16a: {  	v5 =	vld [tilespmem:s24+$0x4280]  }
0x16b: {  	v6 =	vld [tilespmem:s24+$0x4080]  }
0x16c: {  	v7 =	vld [tilespmem:s24+$0x8080]  }
0x16d: {  	s28 =	simm.s32 $0x10;
	s25 =	sor.u32 s26, s26;
	v8 =	vld [tilespmem:s24+$0x8280]  }
.LBB2_8:
0x16e: {  	p0 =	sne.s32 s28, $0x3F0  }
0x16f: {  	v9 =	vld [tilespmem:s24+$0x8180];
	s26 =	sadd.s32 $0x80, s26;
	s0 =	smov.u32 s28;
	s28 =	sadd.s32 $0x10, s28  }
0x170: {  	s29 =	sor.u32 s0, s26;
	v10 =	vld [tilespmem:s24+$0x8100]  }
0x171: {  	v11 =	vld [tilespmem:s24+$0x8200]  }
0x172: {  	v12 =	vld [tilespmem:s24+$0x8300]  }
0x173: {  	v6 =	vadd.f32 v7, v6;
	v13 =	vld [tilespmem:s24+$0x8000];
	v5 =	vadd.f32 v8, v5  }
0x174: {  	v0 =	vadd.f32 v9, v0  }
0x175: {  	v4 =	vadd.f32 v10, v4;
	[tilespmem:s24+$0x4280] =	vst v5  }
0x176: {  	[tilespmem:s24+$0x4180] =	vst v0;
	v0 =	vadd.f32 v11, v3  }
0x177: {  	[tilespmem:s24+$0x4080] =	vst v6;
	v2 =	vadd.f32 v12, v2  }
0x178: {  	v1 =	vadd.f32 v13, v1;
	[tilespmem:s24+$0x4100] =	vst v4  }
0x179: {  	[tilespmem:s24+$0x4300] =	vst v2  }
0x17a: {  	[tilespmem:s24+$0x4200] =	vst v0  }
0x17b: {  	s30 =	sor.u32 $0x380, s25;
	[tilespmem:s24+$0x4000] =	vst v1  }
0x17c: {  	v0 =	vld [tilespmem:s30+$0x4000]  }
0x17d: {  	v1 =	vld [tilespmem:s30+$0x8000];
	_ =	sdelay $0x4  }
0x17e: {  	v0 =	vadd.f32 v1, v0;
	_ =	sdelay $0x1  }
0x17f: {  	s0 =	sand.u32 $0x70, s0;
	s31 =	sand.u32 $0x1C00, s26;
	[tilespmem:s30+$0x4000] =	vst v0  }
0x180: {  	s0 =	sor.u32 s0, s31;
	v0 =	vld [tilespmem:s24+$0x6000]  }
0x181: {  	v1 =	vld [tilespmem:s24+$0xA000]  }
0x182: {  	v2 =	vld [tilespmem:s24+$0x6080]  }
0x183: {  	v3 =	vld [tilespmem:s24+$0xA080]  }
0x184: {  	v4 =	vld [tilespmem:s24+$0xA300]  }
0x185: {  	v5 =	vld [tilespmem:s24+$0x6300]  }
0x186: {  	v0 =	vadd.f32 v1, v0;
	v1 =	vld [tilespmem:s24+$0xA280]  }
0x187: {  	v6 =	vld [tilespmem:s24+$0xA180]  }
0x188: {  	[tilespmem:s24+$0x6000] =	vst v0;
	v0 =	vadd.f32 v3, v2;
	v2 =	vld [tilespmem:s24+$0xA200]  }
0x189: {  	v3 =	vld [tilespmem:s24+$0x6280]  }
0x18a: {  	[tilespmem:s24+$0x6080] =	vst v0;
	v7 =	vld [tilespmem:s24+$0x6200];
	v0 =	vadd.f32 v4, v5  }
0x18b: {  	v4 =	vld [tilespmem:s24+$0x6180]  }
0x18c: {  	v5 =	vld [tilespmem:s24+$0xA100];
	[tilespmem:s24+$0x6300] =	vst v0  }
0x18d: {  	v8 =	vld [tilespmem:s24+$0x6100]  }
0x18e: {  	v0 =	vld [tilespmem:s0+$0x4180];
	v1 =	vadd.f32 v1, v3  }
0x18f: {  	v2 =	vadd.f32 v2, v7  }
0x190: {  	v3 =	vadd.f32 v6, v4;
	[tilespmem:s24+$0x6280] =	vst v1  }
0x191: {  	[tilespmem:s24+$0x6200] =	vst v2  }
0x192: {  	v1 =	vadd.f32 v5, v8  }
0x193: {  	[tilespmem:s24+$0x6180] =	vst v3  }
0x194: {  	s30 =	sor.u32 $0x2380, s25;
	s25 =	smov.u32 s29;
	[tilespmem:s24+$0x6100] =	vst v1;
	s24 =	smov.u32 s0  }
0x195: {  	v5 =	vld [tilespmem:s30+$0x4000]  }
0x196: {  	v6 =	vld [tilespmem:s30+$0x8000];
	_ =	sdelay $0x1  }
0x197: {  	v1 =	vld [tilespmem:s24+$0x4000]  }
0x198: {  	v2 =	vld [tilespmem:s24+$0x4300]  }
0x199: {  	v3 =	vld [tilespmem:s24+$0x4200]  }
.Ltmp3:
0x19a: {  	v4 =	vld [tilespmem:s24+$0x4100];
	v7 =	vadd.f32 v6, v5;
	(pc) =	sbr.rel @p0 .LBB2_8-.Ltmp3, $4  }
0x19b: {  	v5 =	vld [tilespmem:s24+$0x4280]  }
0x19c: {  	v6 =	vld [tilespmem:s24+$0x4080];
	[tilespmem:s30+$0x4000] =	vst v7  }
0x19d: {  	v7 =	vld [tilespmem:s24+$0x8080]  }
0x19e: {  	v8 =	vld [tilespmem:s24+$0x8280]  }
0x19f: {  	v9 =	vld [tilespmem:s24+$0x8180]  }
0x1a0: {  	v10 =	vld [tilespmem:s24+$0x8100]  }
0x1a1: {  	v11 =	vld [tilespmem:s24+$0x8300]  }
0x1a2: {  	v12 =	vld [tilespmem:s24+$0x8200];
	v6 =	vadd.f32 v7, v6  }
0x1a3: {  	v47 =	vld [tilespmem:s24+$0x8000];
	v5 =	vadd.f32 v8, v5  }
0x1a4: {  	v0 =	vadd.f32 v9, v0;
	[tilespmem:s24+$0x4080] =	vst v6  }
0x1a5: {  	v4 =	vadd.f32 v10, v4;
	[tilespmem:s24+$0x4280] =	vst v5  }
0x1a6: {  	v48 =	vadd.f32 v11, v2;
	[tilespmem:s24+$0x4180] =	vst v0  }
0x1a7: {  	v49 =	vadd.f32 v12, v3;
	[tilespmem:s24+$0x4100] =	vst v4  }
0x1a8: {  	v1 =	vadd.f32 v47, v1;
	[tilespmem:s24+$0x4300] =	vst v48  }
0x1a9: {  	[tilespmem:s24+$0x4200] =	vst v49  }
0x1aa: {  	s0 =	sor.u32 $0x380, s25;
	[tilespmem:s24+$0x4000] =	vst v1  }
0x1ab: {  	v0 =	vld [tilespmem:s0+$0x4000]  }
0x1ac: {  	v1 =	vld [tilespmem:s0+$0x8000];
	_ =	sdelay $0x4  }
0x1ad: {  	v0 =	vadd.f32 v1, v0;
	_ =	sdelay $0x1  }
0x1ae: {  	[tilespmem:s0+$0x4000] =	vst v0  }
0x1af: {  	v0 =	vld [tilespmem:s24+$0x6000]  }
0x1b0: {  	v50 =	vld [tilespmem:s24+$0xA000]  }
0x1b1: {  	v51 =	vld [tilespmem:s24+$0x6080]  }
0x1b2: {  	v52 =	vld [tilespmem:s24+$0xA080]  }
0x1b3: {  	v53 =	vld [tilespmem:s24+$0xA300]  }
0x1b4: {  	v54 =	vld [tilespmem:s24+$0xA280]  }
0x1b5: {  	v55 =	vld [tilespmem:s24+$0xA180]  }
0x1b6: {  	v56 =	vld [tilespmem:s24+$0x6300]  }
0x1b7: {  	v57 =	vld [tilespmem:s24+$0xA200]  }
0x1b8: {  	v58 =	vld [tilespmem:s24+$0x6280]  }
0x1b9: {  	v61 =	vld [tilespmem:s24+$0xA100]  }
0x1ba: {  	v62 =	vld [tilespmem:s24+$0x6100]  }
0x1bb: {  	v59 =	vld [tilespmem:s24+$0x6200];
	v0 =	vadd.f32 v50, v0  }
0x1bc: {  	v60 =	vld [tilespmem:s24+$0x6180];
	v2 =	vadd.f32 v52, v51  }
0x1bd: {  	v4 =	vadd.f32 v53, v56;
	[tilespmem:s24+$0x6000] =	vst v0  }
0x1be: {  	v1 =	vadd.f32 v54, v58;
	[tilespmem:s24+$0x6080] =	vst v2  }
0x1bf: {  	v63 =	vadd.f32 v61, v62;
	[tilespmem:s24+$0x6300] =	vst v4  }
0x1c0: {  	v0 =	vadd.f32 v57, v59;
	[tilespmem:s24+$0x6280] =	vst v1  }
0x1c1: {  	v2 =	vadd.f32 v55, v60;
	[tilespmem:s24+$0x6100] =	vst v63  }
0x1c2: {  	[tilespmem:s24+$0x6200] =	vst v0  }
0x1c3: {  	s31 =	sor.u32 $0x2380, s25;
	[tilespmem:s24+$0x6180] =	vst v2  }
0x1c4: {  	v0 =	vld [tilespmem:s31+$0x4000]  }
0x1c5: {  	v1 =	vld [tilespmem:s31+$0x8000];
	_ =	sdelay $0x4  }
0x1c6: {  	v0 =	vadd.f32 v1, v0;
	_ =	sdelay $0x1  }
0x1c7: {  	s23 =	sadd.s32 $0x1, s23;
	[tilespmem:s31+$0x4000] =	vst v0  }
0x1c8: {  	[hbm4b:s14+s1] =	stream.linear.scatter [tilespmem:s18], [sflag:$0x4], $0x4000, $0x38;
	[tilespmem:$0xC000] =	vst v63  }
0x1c9: {  	p0 =	sne.s32 s23, s15;
	_ =	swait.ge [sflag:s20], $0x4000  }
.Ltmp4:
0x1ca: {  	[sflag:s20] =	ssyncset.done $0x0;
	(pc) =	sbr.rel @p0 .LBB2_1-.Ltmp4, $4  }
0x1cb: {  	[sflag:s20] =	ssyncadd.s32 $0xFFFFC000  }
0x1cc: {  	_ =	swait.ge [sflag:s22], $0x4000  }
0x1cd: {  	[sflag:s22] =	ssyncset.done $0x0  }
0x1ce: {  	[sflag:s22] =	ssyncadd.s32 $0xFFFFC000  }
0x1cf: {  	_ =	sfence.sel $0x180000  }
0x1d0: {  	[bflag:$0x0] =	sbarrier.arrive $0xFFFF  }
0x1d1: {  	_ =	strace $0x90000047  }
0x1d2: {  	[bflag:$0x2] =	sbarrier.arrive $0xFFFF  }
0x1d3: {  	p0 =	sne.s32 s2, $0x0;
	s0 =	rddreg [dreg:$0x2]  }
0x1d4: {  	s0 =	sadd.s32 @!p0 $0x100000, s0  }
0x1d5: {  	[sflag:s0] =	ssyncadd.tile.s32 @!p0 $0x1;
	_ =	shalt  }
.Lfunc_end2:
_tile_overlayer_lowered:
.L_overlay_start_2:
0x1d6: {  	(tag) =	ssettag $0x2  }
0x1d7: {  	s0 =	rddreg [dreg:$0x0];
	s2 =	stileid.u32  }
0x1d8: {  	s1 =	rddreg [dreg:$0x1];
	p0 =	sne.s32 s2, $0x0  }
0x1d9: {  	s3 =	rddreg [dreg:$0x2];
	[bflag:$0x3] =	sbarrier.arrive $0xFFFF;
	s2 =	simm.s32 @!p0 $0x1C05  }
0x1da: {  	[timem:s3], [sflag:s2] =	dma.local @!p0 [hbm:s0], s1  }
0x1db: {  	s0 =	simm.s32 @!p0 $0x5  }
0x1dc: {  	_ =	swait.ge @!p0 [sflag:s0], s1  }
0x1dd: {  	s1 =	ssub.s32 @!p0 $0x0, s1;
	[sflag:s0] =	ssyncset.done @!p0 $0x0  }
0x1de: {  	[sflag:s0] =	ssyncadd.s32 @!p0 s1  }
0x1df: {  	[bflag:$0x3] =	sbarrier.arrive $0xFFFF  }
0x1e0: {  	_ =	shalt  }

</sc_bundles>
